<compile_context>
chip_gen: v7x
topology: tpu7x:2x2x1
jax: 0.10.2.dev20260603
libtpu: 0.0.44.dev20260713+nightly
codegen_flags: <defaults>
</compile_context>

<pallas_src>
import functools

import jax
import jax.numpy as jnp
from jax import lax
from jax.experimental import pallas as pl
from jax.experimental.pallas import tpu as pltpu
from jax.experimental.pallas import tpu_sc as plsc

E = 64
D = 1024
FF = 512
T = 2048
TB = 64
MAX_TILES = 95
T_PAD = MAX_TILES * TB
XW = D + 128

NC, NS = 2, 16
NW = NC * NS
RPW = T // NW


def _router_body(hs_ref, gw_ref, logits_ref, rw_ref, dest_ref, te_ref):
    hs = hs_ref[...]
    gw = gw_ref[...]
    logits = lax.dot_general(hs, gw, (((1,), (1,)), ((), ())),
                             preferred_element_type=jnp.float32)
    logits_ref[...] = logits
    m = jnp.max(logits, axis=1, keepdims=True)
    rw = 1.0 / jnp.sum(jnp.exp(logits - m), axis=1, keepdims=True)
    rw_ref[...] = jnp.broadcast_to(rw, (T, XW - D))
    eidx = lax.broadcasted_iota(jnp.int32, (T, E), 1)
    sel = jnp.min(jnp.where(logits == m, eidx, E), axis=1, keepdims=True)
    oh = (eidx == sel).astype(jnp.int32)

    inc = oh
    k = 1
    while k < T:
        inc = inc + jnp.concatenate(
            [jnp.zeros((k, E), jnp.int32), inc[:T - k, :]], axis=0)
        k *= 2
    counts = inc[T - 1:T, :]
    ntiles = (counts + (TB - 1)) // TB

    tinc = ntiles
    k = 1
    while k < E:
        tinc = tinc + jnp.concatenate(
            [jnp.zeros((1, k), jnp.int32), tinc[:, :E - k]], axis=1)
        k *= 2
    tstart = tinc - ntiles
    pad_off = tstart * TB

    rank = jnp.sum((inc - oh) * oh, axis=1, keepdims=True)
    dest = rank + jnp.sum(oh * pad_off, axis=1, keepdims=True)
    dest_ref[...] = dest

    total = tinc[0:1, E - 1:E]
    i_col = lax.broadcasted_iota(jnp.int32, (128, 1), 0)
    ge = (lax.broadcasted_iota(jnp.int32, (128, E), 0)
          >= jnp.broadcast_to(tstart, (128, E))).astype(jnp.int32)
    te = jnp.sum(ge, axis=1, keepdims=True) - 1
    te_ref[...] = te + jnp.where(i_col >= total, E, 0)


def _scatter_body(hs_hbm, rw_hbm, dest_hbm, xs_hbm, idx_v, rows_v, sem):
    wid = lax.axis_index("s") * NC + lax.axis_index("c")
    base = wid * RPW
    c1 = pltpu.async_copy(dest_hbm.at[pl.ds(base, RPW)], idx_v, sem)
    c2 = pltpu.async_copy(hs_hbm.at[pl.ds(base, RPW)],
                          rows_v.at[:, pl.ds(0, D)], sem)
    c3 = pltpu.async_copy(rw_hbm.at[pl.ds(base, RPW)],
                          rows_v.at[:, pl.ds(D, XW - D)], sem)
    c1.wait()
    c2.wait()
    c3.wait()
    pltpu.async_copy(rows_v, xs_hbm.at[idx_v], sem).wait()


def _ffn_body(te_ref, x_ref, wg_ref, wu_ref, wd_ref, o_ref):
    i = pl.program_id(0)

    def _mm(a, b_ref):
        return lax.dot_general(a, b_ref[0], (((1,), (1,)), ((), ())),
                               preferred_element_type=jnp.float32)

    @pl.when(te_ref[i] < E)
    def _():
        x = x_ref[:, :D]
        g = _mm(x, wg_ref)
        h = (g * jax.nn.sigmoid(g)) * _mm(x, wu_ref)
        o_ref[...] = _mm(h, wd_ref) * x_ref[:, D:D + 1]


def _gather_body(ys_hbm, dest_hbm, out_hbm, idx_v, rows_v, sem):
    wid = lax.axis_index("s") * NC + lax.axis_index("c")
    base = wid * RPW
    pltpu.sync_copy(dest_hbm.at[pl.ds(base, RPW)], idx_v)
    pltpu.async_copy(ys_hbm.at[idx_v], rows_v, sem).wait()
    pltpu.sync_copy(rows_v, out_hbm.at[pl.ds(base, RPW)])


def _weight_index(te_val):
    return jnp.where(te_val >= E, E - 1, te_val)


def kernel(hidden_states, gate_w, w_gate_proj, w_up_proj, w_down_proj):
    b, s, d = hidden_states.shape
    hs = hidden_states.reshape(T, D)

    logits, rw128, dest2, te2 = pl.pallas_call(
        _router_body,
        out_shape=[
            jax.ShapeDtypeStruct((T, E), jnp.float32),
            jax.ShapeDtypeStruct((T, XW - D), jnp.float32),
            jax.ShapeDtypeStruct((T, 1), jnp.int32),
            jax.ShapeDtypeStruct((128, 1), jnp.int32),
        ],
    )(hs, gate_w)
    dest = dest2.reshape(T)
    te = te2.reshape(128)[:MAX_TILES]

    mesh = plsc.VectorSubcoreMesh(core_axis_name="c", subcore_axis_name="s",
                                  num_cores=NC, num_subcores=NS)

    x_sorted = functools.partial(
        pl.kernel,
        out_type=jax.ShapeDtypeStruct((T_PAD, XW), jnp.float32),
        mesh=mesh,
        scratch_types=[
            pltpu.VMEM((RPW,), jnp.int32),
            pltpu.VMEM((RPW, XW), jnp.float32),
            pltpu.SemaphoreType.DMA,
        ],
    )(_scatter_body)(hs, rw128, dest)

    grid_spec = pltpu.PrefetchScalarGridSpec(
        num_scalar_prefetch=1,
        grid=(MAX_TILES,),
        in_specs=[
            pl.BlockSpec((TB, XW),
                         lambda i, te_r: (jnp.where(te_r[i] < E, i, MAX_TILES - 1), 0)),
            pl.BlockSpec((1, FF, D), lambda i, te_r: (_weight_index(te_r[i]), 0, 0)),
            pl.BlockSpec((1, FF, D), lambda i, te_r: (_weight_index(te_r[i]), 0, 0)),
            pl.BlockSpec((1, D, FF), lambda i, te_r: (_weight_index(te_r[i]), 0, 0)),
        ],
        out_specs=pl.BlockSpec(
            (TB, D), lambda i, te_r: (jnp.where(te_r[i] < E, i, MAX_TILES - 1), 0)),
    )
    y_sorted = pl.pallas_call(
        _ffn_body,
        grid_spec=grid_spec,
        out_shape=jax.ShapeDtypeStruct((T_PAD, D), jnp.float32),
    )(te, x_sorted, w_gate_proj, w_up_proj, w_down_proj)

    final = functools.partial(
        pl.kernel,
        out_type=jax.ShapeDtypeStruct((T, D), jnp.float32),
        mesh=mesh,
        scratch_types=[
            pltpu.VMEM((RPW,), jnp.int32),
            pltpu.VMEM((RPW, D), jnp.float32),
            pltpu.SemaphoreType.DMA,
        ],
    )(_gather_body)(y_sorted, dest)

    return (final.reshape(b, s, d), logits)

# --- scband reference (transcript-rebuilt; emitter-appended) ---
"""Pipeline reference for scband-olmoe-sparse-moe-block-1503238553818 (READ-ONLY COPY).

The authoritative reference and input builder live on the scoring server;
editing this copy changes nothing except your own understanding.
"""

import jax, jax.numpy as jnp
import numpy as np

E = 64
TOP_K = 1
D = 1024
FF = 512
B = 1
S = 2048


def setup_inputs(seed: int = 0) -> dict:
    key = jax.random.key(seed)
    k0, k1, k2, k3, k4 = jax.random.split(key, 5)
    hidden_states = jax.random.normal(k0, (B, S, D), dtype=jnp.float32)
    # learned parameters (torch nn.Linear weight layout: [out_features, in_features])
    gate_w = jax.random.normal(k1, (E, D), dtype=jnp.float32) * 0.02        # router gate
    w_gate_proj = jax.random.normal(k2, (E, FF, D), dtype=jnp.float32) * 0.02
    w_up_proj = jax.random.normal(k3, (E, FF, D), dtype=jnp.float32) * 0.02
    w_down_proj = jax.random.normal(k4, (E, D, FF), dtype=jnp.float32) * 0.02
    return {
        "hidden_states": hidden_states,
        "gate_w": gate_w,
        "w_gate_proj": w_gate_proj,
        "w_up_proj": w_up_proj,
        "w_down_proj": w_down_proj,
    }


def reference(hidden_states, gate_w, w_gate_proj, w_up_proj, w_down_proj):
    b, s, d = hidden_states.shape
    hs = hidden_states.reshape(-1, d)                      # [T, D]
    router_logits = hs @ gate_w.T                          # [T, E]
    routing_weights = jax.nn.softmax(router_logits.astype(jnp.float32), axis=1)
    rw_top, selected_experts = jax.lax.top_k(routing_weights, TOP_K)  # [T, K]
    # norm_topk_prob is False -> no renormalization
    rw_top = rw_top.astype(hs.dtype)
    # combine weights: for each token t and expert e, sum_k rw_top[t,k] * 1[sel[t,k]==e]
    one_hot = jax.nn.one_hot(selected_experts, E, dtype=hs.dtype)     # [T, K, E]
    combine = jnp.einsum("tk,tke->te", rw_top, one_hot)               # [T, E]
    final = jnp.zeros((b * s, d), dtype=hs.dtype)
    for e in range(E):
        # OlmoeMLP: down_proj( silu(gate_proj(x)) * up_proj(x) )
        h = jax.nn.silu(hs @ w_gate_proj[e].T) * (hs @ w_up_proj[e].T)
        out = h @ w_down_proj[e].T
        # tokens not routed to expert e have combine[:, e] == 0, matching
        # the masked index_add_ in the torch reference exactly
        final = final + out * combine[:, e:e + 1]
    final = final.reshape(b, s, d)
    return (final, router_logits)

if __name__ == "__main__":
    import jax
    _d = setup_inputs()
    print(jax.jit(kernel)(*tuple(_d.values())))

</pallas_src>

<mosaic_0001>
#map = affine_map<(d0, d1) -> (0, 0)>
#map1 = affine_map<(d0, d1) -> (0)>
module attributes {stable_mosaic.version = 14 : i64} {
  func.func @_scatter_body(%arg0: i32, %arg1: i32, %arg2: memref<2048x1024xf32, #tpu.memory_space<hbm>>, %arg3: memref<2048x128xf32, #tpu.memory_space<hbm>>, %arg4: memref<2048xi32, #tpu.memory_space<hbm>>, %arg5: memref<6080x1152xf32, #tpu.memory_space<hbm>>, %arg6: memref<64xi32, #tpu.memory_space<vmem>>, %arg7: memref<64x1152xf32, #tpu.memory_space<vmem>>, %arg8: memref<!tpu.dma_semaphore, #tpu.memory_space<semaphore_mem>>) attributes {dimension_semantics = [#tpu.dimension_semantics<core_parallel>, #tpu.dimension_semantics<subcore_parallel>], iteration_bounds = array<i64: 2, 16>, scalar_prefetch = 0 : i64, scratch_operands = 3 : i64, tpu.core_type = #tpu.core_type<sc_vector_subcore>, window_params = [{transform_indices = #map}, {transform_indices = #map}, {transform_indices = #map1}, {transform_indices = #map}]} {
    %mul3A = arith.constant 2 : i32
    %mul3A_0 = arith.muli %arg1, %mul3A : i32
    %add3A = arith.addi %mul3A_0, %arg0 : i32
    %mul3A_1 = arith.constant 64 : i32
    %mul3A_2 = arith.muli %add3A, %mul3A_1 : i32
    %dma_start3A = tpu.memref_slice %arg4[%mul3A_2] : memref<2048xi32, #tpu.memory_space<hbm>> -> memref<64xi32, #tpu.memory_space<hbm>>
    %dma_start3A_3 = tpu.memref_slice %arg4[%mul3A_2] : memref<2048xi32, #tpu.memory_space<hbm>> -> memref<64xi32, #tpu.memory_space<hbm>>
    tpu.enqueue_dma source(%dma_start3A_3 : memref<64xi32, #tpu.memory_space<hbm>>) target(%arg6 : memref<64xi32, #tpu.memory_space<vmem>>) target_semaphore(%arg8 : memref<!tpu.dma_semaphore, #tpu.memory_space<semaphore_mem>>)
    %dma_start3A_4 = arith.constant 0 : i32
    %dma_start3A_5 = arith.constant 0 : i32
    %dma_start3A_6 = tpu.memref_slice %arg7[%dma_start3A_4, %dma_start3A_5] : memref<64x1152xf32, #tpu.memory_space<vmem>> -> memref<64x1024xf32, #tpu.memory_space<vmem>>
    %dma_start3A_7 = arith.constant 0 : i32
    %dma_start3A_8 = tpu.memref_slice %arg2[%mul3A_2, %dma_start3A_7] : memref<2048x1024xf32, #tpu.memory_space<hbm>> -> memref<64x1024xf32, #tpu.memory_space<hbm>>
    %dma_start3A_9 = arith.constant 0 : i32
    %dma_start3A_10 = arith.constant 0 : i32
    %dma_start3A_11 = tpu.memref_slice %arg7[%dma_start3A_9, %dma_start3A_10] : memref<64x1152xf32, #tpu.memory_space<vmem>> -> memref<64x1024xf32, #tpu.memory_space<vmem>>
    %dma_start3A_12 = arith.constant 0 : i32
    %dma_start3A_13 = tpu.memref_slice %arg2[%mul3A_2, %dma_start3A_12] : memref<2048x1024xf32, #tpu.memory_space<hbm>> -> memref<64x1024xf32, #tpu.memory_space<hbm>>
    tpu.enqueue_dma source(%dma_start3A_13 : memref<64x1024xf32, #tpu.memory_space<hbm>>) target(%dma_start3A_11 : memref<64x1024xf32, #tpu.memory_space<vmem>>) target_semaphore(%arg8 : memref<!tpu.dma_semaphore, #tpu.memory_space<semaphore_mem>>)
    %dma_start3A_14 = arith.constant 0 : i32
    %dma_start3A_15 = arith.constant 1024 : i32
    %dma_start3A_16 = tpu.memref_slice %arg7[%dma_start3A_14, %dma_start3A_15] : memref<64x1152xf32, #tpu.memory_space<vmem>> -> memref<64x128xf32, #tpu.memory_space<vmem>>
    %dma_start3A_17 = arith.constant 0 : i32
    %dma_start3A_18 = tpu.memref_slice %arg3[%mul3A_2, %dma_start3A_17] : memref<2048x128xf32, #tpu.memory_space<hbm>> -> memref<64x128xf32, #tpu.memory_space<hbm>>
    %dma_start3A_19 = arith.constant 0 : i32
    %dma_start3A_20 = arith.constant 1024 : i32
    %dma_start3A_21 = tpu.memref_slice %arg7[%dma_start3A_19, %dma_start3A_20] : memref<64x1152xf32, #tpu.memory_space<vmem>> -> memref<64x128xf32, #tpu.memory_space<vmem>>
    %dma_start3A_22 = arith.constant 0 : i32
    %dma_start3A_23 = tpu.memref_slice %arg3[%mul3A_2, %dma_start3A_22] : memref<2048x128xf32, #tpu.memory_space<hbm>> -> memref<64x128xf32, #tpu.memory_space<hbm>>
    tpu.enqueue_dma source(%dma_start3A_23 : memref<64x128xf32, #tpu.memory_space<hbm>>) target(%dma_start3A_21 : memref<64x128xf32, #tpu.memory_space<vmem>>) target_semaphore(%arg8 : memref<!tpu.dma_semaphore, #tpu.memory_space<semaphore_mem>>)
    %dma_wait3A = tpu.memref_slice %arg4[%mul3A_2] : memref<2048xi32, #tpu.memory_space<hbm>> -> memref<64xi32, #tpu.memory_space<hbm>>
    %dma_wait3A_24 = tpu.memref_slice %arg4[%mul3A_2] : memref<2048xi32, #tpu.memory_space<hbm>> -> memref<64xi32, #tpu.memory_space<hbm>>
    tpu.wait_dma2 semaphore(%arg8 : memref<!tpu.dma_semaphore, #tpu.memory_space<semaphore_mem>>) src(%dma_wait3A_24 : memref<64xi32, #tpu.memory_space<hbm>>) dst(%arg6 : memref<64xi32, #tpu.memory_space<vmem>>)
    %dma_wait3A_25 = arith.constant 0 : i32
    %dma_wait3A_26 = arith.constant 0 : i32
    %dma_wait3A_27 = tpu.memref_slice %arg7[%dma_wait3A_25, %dma_wait3A_26] : memref<64x1152xf32, #tpu.memory_space<vmem>> -> memref<64x1024xf32, #tpu.memory_space<vmem>>
    %dma_wait3A_28 = arith.constant 0 : i32
    %dma_wait3A_29 = tpu.memref_slice %arg2[%mul3A_2, %dma_wait3A_28] : memref<2048x1024xf32, #tpu.memory_space<hbm>> -> memref<64x1024xf32, #tpu.memory_space<hbm>>
    %dma_wait3A_30 = arith.constant 0 : i32
    %dma_wait3A_31 = arith.constant 0 : i32
    %dma_wait3A_32 = tpu.memref_slice %arg7[%dma_wait3A_30, %dma_wait3A_31] : memref<64x1152xf32, #tpu.memory_space<vmem>> -> memref<64x1024xf32, #tpu.memory_space<vmem>>
    %dma_wait3A_33 = arith.constant 0 : i32
    %dma_wait3A_34 = tpu.memref_slice %arg2[%mul3A_2, %dma_wait3A_33] : memref<2048x1024xf32, #tpu.memory_space<hbm>> -> memref<64x1024xf32, #tpu.memory_space<hbm>>
    tpu.wait_dma2 semaphore(%arg8 : memref<!tpu.dma_semaphore, #tpu.memory_space<semaphore_mem>>) src(%dma_wait3A_34 : memref<64x1024xf32, #tpu.memory_space<hbm>>) dst(%dma_wait3A_32 : memref<64x1024xf32, #tpu.memory_space<vmem>>)
    %dma_wait3A_35 = arith.constant 0 : i32
    %dma_wait3A_36 = arith.constant 1024 : i32
    %dma_wait3A_37 = tpu.memref_slice %arg7[%dma_wait3A_35, %dma_wait3A_36] : memref<64x1152xf32, #tpu.memory_space<vmem>> -> memref<64x128xf32, #tpu.memory_space<vmem>>
    %dma_wait3A_38 = arith.constant 0 : i32
    %dma_wait3A_39 = tpu.memref_slice %arg3[%mul3A_2, %dma_wait3A_38] : memref<2048x128xf32, #tpu.memory_space<hbm>> -> memref<64x128xf32, #tpu.memory_space<hbm>>
    %dma_wait3A_40 = arith.constant 0 : i32
    %dma_wait3A_41 = arith.constant 1024 : i32
    %dma_wait3A_42 = tpu.memref_slice %arg7[%dma_wait3A_40, %dma_wait3A_41] : memref<64x1152xf32, #tpu.memory_space<vmem>> -> memref<64x128xf32, #tpu.memory_space<vmem>>
    %dma_wait3A_43 = arith.constant 0 : i32
    %dma_wait3A_44 = tpu.memref_slice %arg3[%mul3A_2, %dma_wait3A_43] : memref<2048x128xf32, #tpu.memory_space<hbm>> -> memref<64x128xf32, #tpu.memory_space<hbm>>
    tpu.wait_dma2 semaphore(%arg8 : memref<!tpu.dma_semaphore, #tpu.memory_space<semaphore_mem>>) src(%dma_wait3A_44 : memref<64x128xf32, #tpu.memory_space<hbm>>) dst(%dma_wait3A_42 : memref<64x128xf32, #tpu.memory_space<vmem>>)
    %dma_start3A_45 = arith.constant 0 : i32
    %dma_start3A_46 = arith.constant 0 : i32
    %dma_start3A_47 = tpu.memref_slice %arg5[%dma_start3A_45, %dma_start3A_46] : memref<6080x1152xf32, #tpu.memory_space<hbm>> -> memref<6080x1152xf32, #tpu.memory_space<hbm>>
    tpu.enqueue_indirect_dma source(%arg7 : memref<64x1152xf32, #tpu.memory_space<vmem>>) target(%dma_start3A_47 : memref<6080x1152xf32, #tpu.memory_space<hbm>>) offsets(%arg6 : memref<64xi32, #tpu.memory_space<vmem>>) semaphore(%arg8 : memref<!tpu.dma_semaphore, #tpu.memory_space<semaphore_mem>>)
    %dma_wait3A_48 = arith.constant 0 : i32
    %dma_wait3A_49 = arith.constant 0 : i32
    %dma_wait3A_50 = tpu.memref_slice %arg5[%dma_wait3A_48, %dma_wait3A_49] : memref<6080x1152xf32, #tpu.memory_space<hbm>> -> memref<6080x1152xf32, #tpu.memory_space<hbm>>
    tpu.wait_indirect_dma semaphore(%arg8 : memref<!tpu.dma_semaphore, #tpu.memory_space<semaphore_mem>>) src(%arg7 : memref<64x1152xf32, #tpu.memory_space<vmem>>) dst(%dma_wait3A_50 : memref<6080x1152xf32, #tpu.memory_space<hbm>>)
    return
  }
}

#map = affine_map<(d0, d1) -> (0, 0)>
#map1 = affine_map<(d0, d1) -> (0)>
module attributes {stable_mosaic.version = 14 : i64} {
  func.func @_gather_body(%arg0: i32, %arg1: i32, %arg2: memref<6080x1024xf32, #tpu.memory_space<hbm>>, %arg3: memref<2048xi32, #tpu.memory_space<hbm>>, %arg4: memref<2048x1024xf32, #tpu.memory_space<hbm>>, %arg5: memref<64xi32, #tpu.memory_space<vmem>>, %arg6: memref<64x1024xf32, #tpu.memory_space<vmem>>, %arg7: memref<!tpu.dma_semaphore, #tpu.memory_space<semaphore_mem>>) attributes {dimension_semantics = [#tpu.dimension_semantics<core_parallel>, #tpu.dimension_semantics<subcore_parallel>], iteration_bounds = array<i64: 2, 16>, scalar_prefetch = 0 : i64, scratch_operands = 3 : i64, tpu.core_type = #tpu.core_type<sc_vector_subcore>, window_params = [{transform_indices = #map}, {transform_indices = #map1}, {transform_indices = #map}]} {
    %mul3A = arith.constant 2 : i32
    %mul3A_0 = arith.muli %arg1, %mul3A : i32
    %add3A = arith.addi %mul3A_0, %arg0 : i32
    %mul3A_1 = arith.constant 64 : i32
    %mul3A_2 = arith.muli %add3A, %mul3A_1 : i32
    "tpu.region"() ({
      %run_scoped3A = tpu.sem_alloc : memref<!tpu.dma_semaphore, #tpu.memory_space<semaphore_mem>>
      %dma_start3A_7 = tpu.memref_slice %arg3[%mul3A_2] : memref<2048xi32, #tpu.memory_space<hbm>> -> memref<64xi32, #tpu.memory_space<hbm>>
      %dma_start3A_8 = tpu.memref_slice %arg3[%mul3A_2] : memref<2048xi32, #tpu.memory_space<hbm>> -> memref<64xi32, #tpu.memory_space<hbm>>
      tpu.enqueue_dma source(%dma_start3A_8 : memref<64xi32, #tpu.memory_space<hbm>>) target(%arg5 : memref<64xi32, #tpu.memory_space<vmem>>) target_semaphore(%run_scoped3A : memref<!tpu.dma_semaphore, #tpu.memory_space<semaphore_mem>>)
      %dma_wait3A_9 = tpu.memref_slice %arg3[%mul3A_2] : memref<2048xi32, #tpu.memory_space<hbm>> -> memref<64xi32, #tpu.memory_space<hbm>>
      %dma_wait3A_10 = tpu.memref_slice %arg3[%mul3A_2] : memref<2048xi32, #tpu.memory_space<hbm>> -> memref<64xi32, #tpu.memory_space<hbm>>
      tpu.wait_dma2 semaphore(%run_scoped3A : memref<!tpu.dma_semaphore, #tpu.memory_space<semaphore_mem>>) src(%dma_wait3A_10 : memref<64xi32, #tpu.memory_space<hbm>>) dst(%arg5 : memref<64xi32, #tpu.memory_space<vmem>>)
      tpu.yield
    }) : () -> ()
    %dma_start3A = arith.constant 0 : i32
    %dma_start3A_3 = arith.constant 0 : i32
    %dma_start3A_4 = tpu.memref_slice %arg2[%dma_start3A, %dma_start3A_3] : memref<6080x1024xf32, #tpu.memory_space<hbm>> -> memref<6080x1024xf32, #tpu.memory_space<hbm>>
    tpu.enqueue_indirect_dma source(%dma_start3A_4 : memref<6080x1024xf32, #tpu.memory_space<hbm>>) target(%arg6 : memref<64x1024xf32, #tpu.memory_space<vmem>>) offsets(%arg5 : memref<64xi32, #tpu.memory_space<vmem>>) semaphore(%arg7 : memref<!tpu.dma_semaphore, #tpu.memory_space<semaphore_mem>>)
    %dma_wait3A = arith.constant 0 : i32
    %dma_wait3A_5 = arith.constant 0 : i32
    %dma_wait3A_6 = tpu.memref_slice %arg2[%dma_wait3A, %dma_wait3A_5] : memref<6080x1024xf32, #tpu.memory_space<hbm>> -> memref<6080x1024xf32, #tpu.memory_space<hbm>>
    tpu.wait_indirect_dma semaphore(%arg7 : memref<!tpu.dma_semaphore, #tpu.memory_space<semaphore_mem>>) src(%dma_wait3A_6 : memref<6080x1024xf32, #tpu.memory_space<hbm>>) dst(%arg6 : memref<64x1024xf32, #tpu.memory_space<vmem>>)
    "tpu.region"() ({
      %run_scoped3A = tpu.sem_alloc : memref<!tpu.dma_semaphore, #tpu.memory_space<semaphore_mem>>
      %dma_start3A_7 = arith.constant 0 : i32
      %dma_start3A_8 = tpu.memref_slice %arg4[%mul3A_2, %dma_start3A_7] : memref<2048x1024xf32, #tpu.memory_space<hbm>> -> memref<64x1024xf32, #tpu.memory_space<hbm>>
      %dma_start3A_9 = arith.constant 0 : i32
      %dma_start3A_10 = tpu.memref_slice %arg4[%mul3A_2, %dma_start3A_9] : memref<2048x1024xf32, #tpu.memory_space<hbm>> -> memref<64x1024xf32, #tpu.memory_space<hbm>>
      tpu.enqueue_dma source(%arg6 : memref<64x1024xf32, #tpu.memory_space<vmem>>) target(%dma_start3A_10 : memref<64x1024xf32, #tpu.memory_space<hbm>>) target_semaphore(%run_scoped3A : memref<!tpu.dma_semaphore, #tpu.memory_space<semaphore_mem>>)
      %dma_wait3A_11 = arith.constant 0 : i32
      %dma_wait3A_12 = tpu.memref_slice %arg4[%mul3A_2, %dma_wait3A_11] : memref<2048x1024xf32, #tpu.memory_space<hbm>> -> memref<64x1024xf32, #tpu.memory_space<hbm>>
      %dma_wait3A_13 = arith.constant 0 : i32
      %dma_wait3A_14 = tpu.memref_slice %arg4[%mul3A_2, %dma_wait3A_13] : memref<2048x1024xf32, #tpu.memory_space<hbm>> -> memref<64x1024xf32, #tpu.memory_space<hbm>>
      tpu.wait_dma2 semaphore(%run_scoped3A : memref<!tpu.dma_semaphore, #tpu.memory_space<semaphore_mem>>) src(%arg6 : memref<64x1024xf32, #tpu.memory_space<vmem>>) dst(%dma_wait3A_14 : memref<64x1024xf32, #tpu.memory_space<hbm>>)
      tpu.yield
    }) : () -> ()
    return
  }
}

module attributes {stable_mosaic.version = 14 : i64} {
  func.func @_router_body(%arg0: memref<2048x1024xf32, #tpu.memory_space<vmem>>, %arg1: memref<64x1024xf32, #tpu.memory_space<vmem>>, %arg2: memref<2048x64xf32, #tpu.memory_space<vmem>>, %arg3: memref<2048x128xf32, #tpu.memory_space<vmem>>, %arg4: memref<2048x1xi32, #tpu.memory_space<vmem>>, %arg5: memref<128x1xi32, #tpu.memory_space<vmem>>) attributes {dimension_semantics = [], scalar_prefetch = 0 : i64, scratch_operands = 0 : i64, tpu.core_type = #tpu.core_type<tc>} {
    %get3A = arith.constant 0 : index
    %get3A_0 = arith.constant 0 : index
    %get3A_1 = vector.load %arg0[%get3A, %get3A_0] : memref<2048x1024xf32, #tpu.memory_space<vmem>>, vector<2048x1024xf32>
    %get3A_2 = arith.constant 0 : index
    %get3A_3 = arith.constant 0 : index
    %get3A_4 = vector.load %arg1[%get3A_2, %get3A_3] : memref<64x1024xf32, #tpu.memory_space<vmem>>, vector<64x1024xf32>
    %dot_general3A = arith.constant dense<0.000000e+00> : vector<2048x64xf32>
    %dot_general3A_5 = tpu.matmul %get3A_1, %get3A_4, %dot_general3A {dimension_numbers = #tpu.dot_dimension_numbers<[1], [1], [0], [0], [0, 0, 1, 0], [], []>, transpose_lhs_hint = false} : vector<2048x1024xf32>, vector<64x1024xf32>, vector<2048x64xf32> -> vector<2048x64xf32>
    %swap3A = arith.constant 0 : index
    %swap3A_6 = arith.constant 0 : index
    %swap3A_7 = vector.load %arg2[%swap3A, %swap3A_6] : memref<2048x64xf32, #tpu.memory_space<vmem>>, vector<2048x64xf32>
    tpu.vector_store %arg2[%swap3A, %swap3A_6], %dot_general3A_5 {strides = array<i32>} : memref<2048x64xf32, #tpu.memory_space<vmem>>, vector<2048x64xf32>,
    %reduce_max3A = arith.constant dense<0xFF800000> : vector<2048xf32>
    %reduce_max3A_8 = vector.multi_reduction <maximumf>, %dot_general3A_5, %reduce_max3A [1] : vector<2048x64xf32> to vector<2048xf32>
    %broadcast_in_dim3A = vector.shape_cast %reduce_max3A_8 : vector<2048xf32> to vector<2048x1xf32>
    %sub3A = vector.broadcast %broadcast_in_dim3A : vector<2048x1xf32> to vector<2048x64xf32>
    %sub3A_9 = arith.subf %dot_general3A_5, %sub3A : vector<2048x64xf32>
    %exp3A = math.exp %sub3A_9 : vector<2048x64xf32>
    %reduce_sum3A = arith.constant dense<0.000000e+00> : vector<2048xf32>
    %reduce_sum3A_10 = vector.multi_reduction <add>, %exp3A, %reduce_sum3A [1] : vector<2048x64xf32> to vector<2048xf32>
    %broadcast_in_dim3A_11 = vector.shape_cast %reduce_sum3A_10 : vector<2048xf32> to vector<2048x1xf32>
    %div3A = arith.constant 1.000000e+00 : f32
    %div3A_12 = vector.broadcast %div3A : f32 to vector<2048x1xf32>
    %div3A_13 = arith.divf %div3A_12, %broadcast_in_dim3A_11 : vector<2048x1xf32>
    %broadcast_in_dim3A_14 = vector.shape_cast %div3A_13 : vector<2048x1xf32> to vector<2048x1xf32>
    %broadcast_in_dim3A_15 = vector.broadcast %broadcast_in_dim3A_14 : vector<2048x1xf32> to vector<2048x128xf32>
    %swap3A_16 = arith.constant 0 : index
    %swap3A_17 = arith.constant 0 : index
    %swap3A_18 = vector.load %arg3[%swap3A_16, %swap3A_17] : memref<2048x128xf32, #tpu.memory_space<vmem>>, vector<2048x128xf32>
    tpu.vector_store %arg3[%swap3A_16, %swap3A_17], %broadcast_in_dim3A_15 {strides = array<i32>} : memref<2048x128xf32, #tpu.memory_space<vmem>>, vector<2048x128xf32>,
    %iota3A = tpu.iota {dimensions = array<i32: 1>} : vector<2048x64xi32>
    %eq3A = vector.broadcast %broadcast_in_dim3A : vector<2048x1xf32> to vector<2048x64xf32>
    %eq3A_19 = arith.cmpf oeq, %dot_general3A_5, %eq3A : vector<2048x64xf32>
    %jit3A = arith.constant 64 : i32
    %broadcast_in_dim3A_20 = vector.broadcast %jit3A : i32 to vector<2048x64xi32>
    %select_n3A = arith.select %eq3A_19, %iota3A, %broadcast_in_dim3A_20 : vector<2048x64xi1>, vector<2048x64xi32>
    %reduce_min3A = arith.constant dense<2147483647> : vector<2048xi32>
    %reduce_min3A_21 = vector.multi_reduction <minsi>, %select_n3A, %reduce_min3A [1] : vector<2048x64xi32> to vector<2048xi32>
    %broadcast_in_dim3A_22 = vector.shape_cast %reduce_min3A_21 : vector<2048xi32> to vector<2048x1xi32>
    %eq3A_23 = vector.broadcast %broadcast_in_dim3A_22 : vector<2048x1xi32> to vector<2048x64xi32>
    %eq3A_24 = arith.cmpi eq, %iota3A, %eq3A_23 : vector<2048x64xi32>
    %convert_element_type3A = arith.extui %eq3A_24 : vector<2048x64xi1> to vector<2048x64xi32>
    %broadcast_in_dim3A_25 = arith.constant 0 : i32
    %broadcast_in_dim3A_26 = vector.broadcast %broadcast_in_dim3A_25 : i32 to vector<1x64xi32>
    %slice3A = vector.extract_strided_slice %convert_element_type3A {offsets = [0, 0], sizes = [2047, 64], strides = [1, 1]} : vector<2048x64xi32> to vector<2047x64xi32>
    %concatenate3A = tpu.concatenate %broadcast_in_dim3A_26, %slice3A in 0 : vector<1x64xi32>, vector<2047x64xi32> -> vector<2048x64xi32>
    %add3A = arith.addi %convert_element_type3A, %concatenate3A : vector<2048x64xi32>
    %broadcast_in_dim3A_27 = arith.constant 0 : i32
    %broadcast_in_dim3A_28 = vector.broadcast %broadcast_in_dim3A_27 : i32 to vector<2x64xi32>
    %slice3A_29 = vector.extract_strided_slice %add3A {offsets = [0, 0], sizes = [2046, 64], strides = [1, 1]} : vector<2048x64xi32> to vector<2046x64xi32>
    %concatenate3A_30 = tpu.concatenate %broadcast_in_dim3A_28, %slice3A_29 in 0 : vector<2x64xi32>, vector<2046x64xi32> -> vector<2048x64xi32>
    %add3A_31 = arith.addi %add3A, %concatenate3A_30 : vector<2048x64xi32>
    %broadcast_in_dim3A_32 = arith.constant 0 : i32
    %broadcast_in_dim3A_33 = vector.broadcast %broadcast_in_dim3A_32 : i32 to vector<4x64xi32>
    %slice3A_34 = vector.extract_strided_slice %add3A_31 {offsets = [0, 0], sizes = [2044, 64], strides = [1, 1]} : vector<2048x64xi32> to vector<2044x64xi32>
    %concatenate3A_35 = tpu.concatenate %broadcast_in_dim3A_33, %slice3A_34 in 0 : vector<4x64xi32>, vector<2044x64xi32> -> vector<2048x64xi32>
    %add3A_36 = arith.addi %add3A_31, %concatenate3A_35 : vector<2048x64xi32>
    %broadcast_in_dim3A_37 = arith.constant 0 : i32
    %broadcast_in_dim3A_38 = vector.broadcast %broadcast_in_dim3A_37 : i32 to vector<8x64xi32>
    %slice3A_39 = vector.extract_strided_slice %add3A_36 {offsets = [0, 0], sizes = [2040, 64], strides = [1, 1]} : vector<2048x64xi32> to vector<2040x64xi32>
    %concatenate3A_40 = tpu.concatenate %broadcast_in_dim3A_38, %slice3A_39 in 0 : vector<8x64xi32>, vector<2040x64xi32> -> vector<2048x64xi32>
    %add3A_41 = arith.addi %add3A_36, %concatenate3A_40 : vector<2048x64xi32>
    %broadcast_in_dim3A_42 = arith.constant 0 : i32
    %broadcast_in_dim3A_43 = vector.broadcast %broadcast_in_dim3A_42 : i32 to vector<16x64xi32>
    %slice3A_44 = vector.extract_strided_slice %add3A_41 {offsets = [0, 0], sizes = [2032, 64], strides = [1, 1]} : vector<2048x64xi32> to vector<2032x64xi32>
    %concatenate3A_45 = tpu.concatenate %broadcast_in_dim3A_43, %slice3A_44 in 0 : vector<16x64xi32>, vector<2032x64xi32> -> vector<2048x64xi32>
    %add3A_46 = arith.addi %add3A_41, %concatenate3A_45 : vector<2048x64xi32>
    %broadcast_in_dim3A_47 = arith.constant 0 : i32
    %broadcast_in_dim3A_48 = vector.broadcast %broadcast_in_dim3A_47 : i32 to vector<32x64xi32>
    %slice3A_49 = vector.extract_strided_slice %add3A_46 {offsets = [0, 0], sizes = [2016, 64], strides = [1, 1]} : vector<2048x64xi32> to vector<2016x64xi32>
    %concatenate3A_50 = tpu.concatenate %broadcast_in_dim3A_48, %slice3A_49 in 0 : vector<32x64xi32>, vector<2016x64xi32> -> vector<2048x64xi32>
    %add3A_51 = arith.addi %add3A_46, %concatenate3A_50 : vector<2048x64xi32>
    %broadcast_in_dim3A_52 = arith.constant 0 : i32
    %broadcast_in_dim3A_53 = vector.broadcast %broadcast_in_dim3A_52 : i32 to vector<64x64xi32>
    %slice3A_54 = vector.extract_strided_slice %add3A_51 {offsets = [0, 0], sizes = [1984, 64], strides = [1, 1]} : vector<2048x64xi32> to vector<1984x64xi32>
    %concatenate3A_55 = tpu.concatenate %broadcast_in_dim3A_53, %slice3A_54 in 0 : vector<64x64xi32>, vector<1984x64xi32> -> vector<2048x64xi32>
    %add3A_56 = arith.addi %add3A_51, %concatenate3A_55 : vector<2048x64xi32>
    %broadcast_in_dim3A_57 = arith.constant 0 : i32
    %broadcast_in_dim3A_58 = vector.broadcast %broadcast_in_dim3A_57 : i32 to vector<128x64xi32>
    %slice3A_59 = vector.extract_strided_slice %add3A_56 {offsets = [0, 0], sizes = [1920, 64], strides = [1, 1]} : vector<2048x64xi32> to vector<1920x64xi32>
    %concatenate3A_60 = tpu.concatenate %broadcast_in_dim3A_58, %slice3A_59 in 0 : vector<128x64xi32>, vector<1920x64xi32> -> vector<2048x64xi32>
    %add3A_61 = arith.addi %add3A_56, %concatenate3A_60 : vector<2048x64xi32>
    %broadcast_in_dim3A_62 = arith.constant 0 : i32
    %broadcast_in_dim3A_63 = vector.broadcast %broadcast_in_dim3A_62 : i32 to vector<256x64xi32>
    %slice3A_64 = vector.extract_strided_slice %add3A_61 {offsets = [0, 0], sizes = [1792, 64], strides = [1, 1]} : vector<2048x64xi32> to vector<1792x64xi32>
    %concatenate3A_65 = tpu.concatenate %broadcast_in_dim3A_63, %slice3A_64 in 0 : vector<256x64xi32>, vector<1792x64xi32> -> vector<2048x64xi32>
    %add3A_66 = arith.addi %add3A_61, %concatenate3A_65 : vector<2048x64xi32>
    %broadcast_in_dim3A_67 = arith.constant 0 : i32
    %broadcast_in_dim3A_68 = vector.broadcast %broadcast_in_dim3A_67 : i32 to vector<512x64xi32>
    %slice3A_69 = vector.extract_strided_slice %add3A_66 {offsets = [0, 0], sizes = [1536, 64], strides = [1, 1]} : vector<2048x64xi32> to vector<1536x64xi32>
    %concatenate3A_70 = tpu.concatenate %broadcast_in_dim3A_68, %slice3A_69 in 0 : vector<512x64xi32>, vector<1536x64xi32> -> vector<2048x64xi32>
    %add3A_71 = arith.addi %add3A_66, %concatenate3A_70 : vector<2048x64xi32>
    %broadcast_in_dim3A_72 = arith.constant 0 : i32
    %broadcast_in_dim3A_73 = vector.broadcast %broadcast_in_dim3A_72 : i32 to vector<1024x64xi32>
    %slice3A_74 = vector.extract_strided_slice %add3A_71 {offsets = [0, 0], sizes = [1024, 64], strides = [1, 1]} : vector<2048x64xi32> to vector<1024x64xi32>
    %concatenate3A_75 = tpu.concatenate %broadcast_in_dim3A_73, %slice3A_74 in 0 : vector<1024x64xi32>, vector<1024x64xi32> -> vector<2048x64xi32>
    %add3A_76 = arith.addi %add3A_71, %concatenate3A_75 : vector<2048x64xi32>
    %slice3A_77 = vector.extract_strided_slice %add3A_76 {offsets = [2047, 0], sizes = [1, 64], strides = [1, 1]} : vector<2048x64xi32> to vector<1x64xi32>
    %add3A_78 = arith.constant 63 : i32
    %add3A_79 = vector.broadcast %add3A_78 : i32 to vector<1x64xi32>
    %add3A_80 = arith.addi %slice3A_77, %add3A_79 : vector<1x64xi32>
    %jit3A_81 = arith.constant 64 : i32
    %div3A_82 = vector.broadcast %jit3A_81 : i32 to vector<1x64xi32>
    %div3A_83 = arith.divsi %add3A_80, %div3A_82 : vector<1x64xi32>
    %sign3A = arith.constant 0 : i32
    %sign3A_84 = vector.broadcast %sign3A : i32 to vector<1x64xi32>
    %sign3A_85 = arith.cmpi sgt, %add3A_80, %sign3A_84 : vector<1x64xi32>
    %sign3A_86 = arith.extui %sign3A_85 : vector<1x64xi1> to vector<1x64xi32>
    %sign3A_87 = arith.constant 0 : i32
    %sign3A_88 = vector.broadcast %sign3A_87 : i32 to vector<1x64xi32>
    %sign3A_89 = arith.cmpi slt, %add3A_80, %sign3A_88 : vector<1x64xi32>
    %sign3A_90 = arith.extui %sign3A_89 : vector<1x64xi1> to vector<1x64xi32>
    %sign3A_91 = arith.subi %sign3A_86, %sign3A_90 : vector<1x64xi32>
    %sign3A_92 = arith.constant 0 : i32
    %sign3A_93 = arith.cmpi sgt, %jit3A_81, %sign3A_92 : i32
    %sign3A_94 = arith.extui %sign3A_93 : i1 to i32
    %sign3A_95 = arith.constant 0 : i32
    %sign3A_96 = arith.cmpi slt, %jit3A_81, %sign3A_95 : i32
    %sign3A_97 = arith.extui %sign3A_96 : i1 to i32
    %sign3A_98 = arith.subi %sign3A_94, %sign3A_97 : i32
    %ne3A = vector.broadcast %sign3A_98 : i32 to vector<1x64xi32>
    %ne3A_99 = arith.cmpi ne, %sign3A_91, %ne3A : vector<1x64xi32>
    %rem3A = vector.broadcast %jit3A_81 : i32 to vector<1x64xi32>
    %rem3A_100 = arith.remsi %add3A_80, %rem3A : vector<1x64xi32>
    %ne3A_101 = arith.constant 0 : i32
    %ne3A_102 = vector.broadcast %ne3A_101 : i32 to vector<1x64xi32>
    %ne3A_103 = arith.cmpi ne, %rem3A_100, %ne3A_102 : vector<1x64xi32>
    %and3A = arith.andi %ne3A_99, %ne3A_103 : vector<1x64xi1>
    %sub3A_104 = arith.constant 1 : i32
    %sub3A_105 = vector.broadcast %sub3A_104 : i32 to vector<1x64xi32>
    %sub3A_106 = arith.subi %div3A_83, %sub3A_105 : vector<1x64xi32>
    %select_n3A_107 = arith.select %and3A, %sub3A_106, %div3A_83 : vector<1x64xi1>, vector<1x64xi32>
    %broadcast_in_dim3A_108 = arith.constant 0 : i32
    %broadcast_in_dim3A_109 = vector.broadcast %broadcast_in_dim3A_108 : i32 to vector<1x1xi32>
    %slice3A_110 = vector.extract_strided_slice %select_n3A_107 {offsets = [0, 0], sizes = [1, 63], strides = [1, 1]} : vector<1x64xi32> to vector<1x63xi32>
    %concatenate3A_111 = tpu.concatenate %broadcast_in_dim3A_109, %slice3A_110 in 1 : vector<1x1xi32>, vector<1x63xi32> -> vector<1x64xi32>
    %add3A_112 = arith.addi %select_n3A_107, %concatenate3A_111 : vector<1x64xi32>
    %broadcast_in_dim3A_113 = arith.constant 0 : i32
    %broadcast_in_dim3A_114 = vector.broadcast %broadcast_in_dim3A_113 : i32 to vector<1x2xi32>
    %slice3A_115 = vector.extract_strided_slice %add3A_112 {offsets = [0, 0], sizes = [1, 62], strides = [1, 1]} : vector<1x64xi32> to vector<1x62xi32>
    %concatenate3A_116 = tpu.concatenate %broadcast_in_dim3A_114, %slice3A_115 in 1 : vector<1x2xi32>, vector<1x62xi32> -> vector<1x64xi32>
    %add3A_117 = arith.addi %add3A_112, %concatenate3A_116 : vector<1x64xi32>
    %broadcast_in_dim3A_118 = arith.constant 0 : i32
    %broadcast_in_dim3A_119 = vector.broadcast %broadcast_in_dim3A_118 : i32 to vector<1x4xi32>
    %slice3A_120 = vector.extract_strided_slice %add3A_117 {offsets = [0, 0], sizes = [1, 60], strides = [1, 1]} : vector<1x64xi32> to vector<1x60xi32>
    %concatenate3A_121 = tpu.concatenate %broadcast_in_dim3A_119, %slice3A_120 in 1 : vector<1x4xi32>, vector<1x60xi32> -> vector<1x64xi32>
    %add3A_122 = arith.addi %add3A_117, %concatenate3A_121 : vector<1x64xi32>
    %broadcast_in_dim3A_123 = arith.constant 0 : i32
    %broadcast_in_dim3A_124 = vector.broadcast %broadcast_in_dim3A_123 : i32 to vector<1x8xi32>
    %slice3A_125 = vector.extract_strided_slice %add3A_122 {offsets = [0, 0], sizes = [1, 56], strides = [1, 1]} : vector<1x64xi32> to vector<1x56xi32>
    %concatenate3A_126 = tpu.concatenate %broadcast_in_dim3A_124, %slice3A_125 in 1 : vector<1x8xi32>, vector<1x56xi32> -> vector<1x64xi32>
    %add3A_127 = arith.addi %add3A_122, %concatenate3A_126 : vector<1x64xi32>
    %broadcast_in_dim3A_128 = arith.constant 0 : i32
    %broadcast_in_dim3A_129 = vector.broadcast %broadcast_in_dim3A_128 : i32 to vector<1x16xi32>
    %slice3A_130 = vector.extract_strided_slice %add3A_127 {offsets = [0, 0], sizes = [1, 48], strides = [1, 1]} : vector<1x64xi32> to vector<1x48xi32>
    %concatenate3A_131 = tpu.concatenate %broadcast_in_dim3A_129, %slice3A_130 in 1 : vector<1x16xi32>, vector<1x48xi32> -> vector<1x64xi32>
    %add3A_132 = arith.addi %add3A_127, %concatenate3A_131 : vector<1x64xi32>
    %broadcast_in_dim3A_133 = arith.constant 0 : i32
    %broadcast_in_dim3A_134 = vector.broadcast %broadcast_in_dim3A_133 : i32 to vector<1x32xi32>
    %slice3A_135 = vector.extract_strided_slice %add3A_132 {offsets = [0, 0], sizes = [1, 32], strides = [1, 1]} : vector<1x64xi32> to vector<1x32xi32>
    %concatenate3A_136 = tpu.concatenate %broadcast_in_dim3A_134, %slice3A_135 in 1 : vector<1x32xi32>, vector<1x32xi32> -> vector<1x64xi32>
    %add3A_137 = arith.addi %add3A_132, %concatenate3A_136 : vector<1x64xi32>
    %sub3A_138 = arith.subi %add3A_137, %select_n3A_107 : vector<1x64xi32>
    %mul3A = arith.constant 64 : i32
    %mul3A_139 = vector.broadcast %mul3A : i32 to vector<1x64xi32>
    %mul3A_140 = arith.muli %sub3A_138, %mul3A_139 : vector<1x64xi32>
    %sub3A_141 = arith.subi %add3A_76, %convert_element_type3A : vector<2048x64xi32>
    %mul3A_142 = arith.muli %sub3A_141, %convert_element_type3A : vector<2048x64xi32>
    %reduce_sum3A_143 = arith.constant dense<0> : vector<2048xi32>
    %reduce_sum3A_144 = vector.multi_reduction <add>, %mul3A_142, %reduce_sum3A_143 [1] : vector<2048x64xi32> to vector<2048xi32>
    %broadcast_in_dim3A_145 = vector.shape_cast %reduce_sum3A_144 : vector<2048xi32> to vector<2048x1xi32>
    %mul3A_146 = vector.broadcast %mul3A_140 : vector<1x64xi32> to vector<2048x64xi32>
    %mul3A_147 = arith.muli %convert_element_type3A, %mul3A_146 : vector<2048x64xi32>
    %reduce_sum3A_148 = arith.constant dense<0> : vector<2048xi32>
    %reduce_sum3A_149 = vector.multi_reduction <add>, %mul3A_147, %reduce_sum3A_148 [1] : vector<2048x64xi32> to vector<2048xi32>
    %broadcast_in_dim3A_150 = vector.shape_cast %reduce_sum3A_149 : vector<2048xi32> to vector<2048x1xi32>
    %add3A_151 = arith.addi %broadcast_in_dim3A_145, %broadcast_in_dim3A_150 : vector<2048x1xi32>
    %swap3A_152 = arith.constant 0 : index
    %swap3A_153 = arith.constant 0 : index
    %swap3A_154 = vector.load %arg4[%swap3A_152, %swap3A_153] : memref<2048x1xi32, #tpu.memory_space<vmem>>, vector<2048x1xi32>
    tpu.vector_store %arg4[%swap3A_152, %swap3A_153], %add3A_151 {strides = array<i32>} : memref<2048x1xi32, #tpu.memory_space<vmem>>, vector<2048x1xi32>,
    %slice3A_155 = vector.extract_strided_slice %add3A_137 {offsets = [0, 63], sizes = [1, 1], strides = [1, 1]} : vector<1x64xi32> to vector<1x1xi32>
    %iota3A_156 = tpu.iota {dimensions = array<i32: 0>} : vector<128x1xi32>
    %iota3A_157 = tpu.iota {dimensions = array<i32: 0>} : vector<128x64xi32>
    %broadcast_in_dim3A_158 = vector.shape_cast %sub3A_138 : vector<1x64xi32> to vector<1x64xi32>
    %broadcast_in_dim3A_159 = vector.broadcast %broadcast_in_dim3A_158 : vector<1x64xi32> to vector<128x64xi32>
    %ge3A = arith.cmpi sge, %iota3A_157, %broadcast_in_dim3A_159 : vector<128x64xi32>
    %convert_element_type3A_160 = arith.extui %ge3A : vector<128x64xi1> to vector<128x64xi32>
    %reduce_sum3A_161 = arith.constant dense<0> : vector<128xi32>
    %reduce_sum3A_162 = vector.multi_reduction <add>, %convert_element_type3A_160, %reduce_sum3A_161 [1] : vector<128x64xi32> to vector<128xi32>
    %broadcast_in_dim3A_163 = vector.shape_cast %reduce_sum3A_162 : vector<128xi32> to vector<128x1xi32>
    %sub3A_164 = arith.constant 1 : i32
    %sub3A_165 = vector.broadcast %sub3A_164 : i32 to vector<128x1xi32>
    %sub3A_166 = arith.subi %broadcast_in_dim3A_163, %sub3A_165 : vector<128x1xi32>
    %ge3A_167 = vector.broadcast %slice3A_155 : vector<1x1xi32> to vector<128x1xi32>
    %ge3A_168 = arith.cmpi sge, %iota3A_156, %ge3A_167 : vector<128x1xi32>
    %jit3A_169 = arith.constant 64 : i32
    %jit3A_170 = arith.constant 0 : i32
    %broadcast_in_dim3A_171 = vector.broadcast %jit3A_169 : i32 to vector<128x1xi32>
    %broadcast_in_dim3A_172 = vector.broadcast %jit3A_170 : i32 to vector<128x1xi32>
    %select_n3A_173 = arith.select %ge3A_168, %broadcast_in_dim3A_171, %broadcast_in_dim3A_172 : vector<128x1xi1>, vector<128x1xi32>
    %add3A_174 = arith.addi %sub3A_166, %select_n3A_173 : vector<128x1xi32>
    %swap3A_175 = arith.constant 0 : index
    %swap3A_176 = arith.constant 0 : index
    %swap3A_177 = vector.load %arg5[%swap3A_175, %swap3A_176] : memref<128x1xi32, #tpu.memory_space<vmem>>, vector<128x1xi32>
    tpu.vector_store %arg5[%swap3A_175, %swap3A_176], %add3A_174 {strides = array<i32>} : memref<128x1xi32, #tpu.memory_space<vmem>>, vector<128x1xi32>,
    return
  }
}

module attributes {stable_mosaic.version = 14 : i64} {
  func.func @_ffn_body(%arg0: i32, %arg1: memref<95xi32, #tpu.memory_space<smem>>, %arg2: memref<64x1152xf32, #tpu.memory_space<vmem>>, %arg3: memref<1x512x1024xf32, #tpu.memory_space<vmem>>, %arg4: memref<1x512x1024xf32, #tpu.memory_space<vmem>>, %arg5: memref<1x1024x512xf32, #tpu.memory_space<vmem>>, %arg6: memref<64x1024xf32, #tpu.memory_space<vmem>>) attributes {dimension_semantics = [#tpu.dimension_semantics<arbitrary>], iteration_bounds = array<i64: 95>, scalar_prefetch = 1 : i64, scratch_operands = 0 : i64, tpu.core_type = #tpu.core_type<tc>, window_params = [{transform_indices = @transform_0, window_bounds = array<i64: 64, 1152>}, {transform_indices = @transform_1, window_bounds = array<i64: 1, 512, 1024>}, {transform_indices = @transform_2, window_bounds = array<i64: 1, 512, 1024>}, {transform_indices = @transform_3, window_bounds = array<i64: 1, 1024, 512>}, {transform_indices = @transform_4, window_bounds = array<i64: 64, 1024>}]} {
    %get3A = arith.index_cast %arg0 : i32 to index
    %get3A_0 = memref.load %arg1[%get3A] : memref<95xi32, #tpu.memory_space<smem>>
    %lt3A = arith.constant 64 : i32
    %lt3A_1 = arith.cmpi slt, %get3A_0, %lt3A : i32
    %convert_element_type3A = arith.extui %lt3A_1 : i1 to i32
    %cond3A = arith.constant 0 : i32
    %cond3A_2 = arith.cmpi ne, %convert_element_type3A, %cond3A : i32
    scf.if %cond3A_2 {
      %get3A_3 = arith.constant 0 : index
      %get3A_4 = arith.constant 0 : index
      %get3A_5 = vector.load %arg2[%get3A_3, %get3A_4] : memref<64x1152xf32, #tpu.memory_space<vmem>>, vector<64x1024xf32>
      %get3A_6 = arith.constant 0 : index
      %get3A_7 = arith.constant 0 : index
      %get3A_8 = arith.constant 0 : index
      %get3A_9 = vector.load %arg3[%get3A_6, %get3A_7, %get3A_8] : memref<1x512x1024xf32, #tpu.memory_space<vmem>>, vector<1x512x1024xf32>
      %get3A_10 = vector.shape_cast %get3A_9 : vector<1x512x1024xf32> to vector<512x1024xf32>
      %dot_general3A = arith.constant dense<0.000000e+00> : vector<64x512xf32>
      %dot_general3A_11 = tpu.matmul %get3A_5, %get3A_10, %dot_general3A {dimension_numbers = #tpu.dot_dimension_numbers<[1], [1], [0], [0], [0, 0, 1, 0], [], []>, transpose_lhs_hint = false} : vector<64x1024xf32>, vector<512x1024xf32>, vector<64x512xf32> -> vector<64x512xf32>
      %logistic3A = arith.negf %dot_general3A_11 : vector<64x512xf32>
      %logistic3A_12 = math.exp %logistic3A : vector<64x512xf32>
      %logistic3A_13 = arith.constant 1.000000e+00 : f32
      %logistic3A_14 = vector.broadcast %logistic3A_13 : f32 to vector<64x512xf32>
      %logistic3A_15 = arith.addf %logistic3A_14, %logistic3A_12 : vector<64x512xf32>
      %logistic3A_16 = arith.divf %logistic3A_14, %logistic3A_15 : vector<64x512xf32>
      %mul3A = arith.mulf %dot_general3A_11, %logistic3A_16 : vector<64x512xf32>
      %get3A_17 = arith.constant 0 : index
      %get3A_18 = arith.constant 0 : index
      %get3A_19 = arith.constant 0 : index
      %get3A_20 = vector.load %arg4[%get3A_17, %get3A_18, %get3A_19] : memref<1x512x1024xf32, #tpu.memory_space<vmem>>, vector<1x512x1024xf32>
      %get3A_21 = vector.shape_cast %get3A_20 : vector<1x512x1024xf32> to vector<512x1024xf32>
      %dot_general3A_22 = arith.constant dense<0.000000e+00> : vector<64x512xf32>
      %dot_general3A_23 = tpu.matmul %get3A_5, %get3A_21, %dot_general3A_22 {dimension_numbers = #tpu.dot_dimension_numbers<[1], [1], [0], [0], [0, 0, 1, 0], [], []>, transpose_lhs_hint = false} : vector<64x1024xf32>, vector<512x1024xf32>, vector<64x512xf32> -> vector<64x512xf32>
      %mul3A_24 = arith.mulf %mul3A, %dot_general3A_23 : vector<64x512xf32>
      %get3A_25 = arith.constant 0 : index
      %get3A_26 = arith.constant 0 : index
      %get3A_27 = arith.constant 0 : index
      %get3A_28 = vector.load %arg5[%get3A_25, %get3A_26, %get3A_27] : memref<1x1024x512xf32, #tpu.memory_space<vmem>>, vector<1x1024x512xf32>
      %get3A_29 = vector.shape_cast %get3A_28 : vector<1x1024x512xf32> to vector<1024x512xf32>
      %dot_general3A_30 = arith.constant dense<0.000000e+00> : vector<64x1024xf32>
      %dot_general3A_31 = tpu.matmul %mul3A_24, %get3A_29, %dot_general3A_30 {dimension_numbers = #tpu.dot_dimension_numbers<[1], [1], [0], [0], [0, 0, 1, 0], [], []>, transpose_lhs_hint = false} : vector<64x512xf32>, vector<1024x512xf32>, vector<64x1024xf32> -> vector<64x1024xf32>
      %get3A_32 = arith.constant 0 : index
      %get3A_33 = arith.constant 1024 : index
      %get3A_34 = vector.load %arg2[%get3A_32, %get3A_33] : memref<64x1152xf32, #tpu.memory_space<vmem>>, vector<64x1xf32>
      %mul3A_35 = vector.broadcast %get3A_34 : vector<64x1xf32> to vector<64x1024xf32>
      %mul3A_36 = arith.mulf %dot_general3A_31, %mul3A_35 : vector<64x1024xf32>
      %swap3A = arith.constant 0 : index
      %swap3A_37 = arith.constant 0 : index
      %swap3A_38 = vector.load %arg6[%swap3A, %swap3A_37] : memref<64x1024xf32, #tpu.memory_space<vmem>>, vector<64x1024xf32>
      tpu.vector_store %arg6[%swap3A, %swap3A_37], %mul3A_36 {strides = array<i32>} : memref<64x1024xf32, #tpu.memory_space<vmem>>, vector<64x1024xf32>,
    } else {
    }
    return
  }
  func.func @transform_0(%arg0: i32, %arg1: memref<95xi32, #tpu.memory_space<smem>>) -> (i32, i32) {
    %get3A = arith.index_cast %arg0 : i32 to index
    %get3A_0 = memref.load %arg1[%get3A] : memref<95xi32, #tpu.memory_space<smem>>
    %lt3A = arith.constant 64 : i32
    %lt3A_1 = arith.cmpi slt, %get3A_0, %lt3A : i32
    %jit3A = arith.constant 94 : i32
    %select_n3A = arith.select %lt3A_1, %arg0, %jit3A : i32
    %c0_i32 = arith.constant 0 : i32
    %c0_i32_2 = arith.constant 0 : i32
    return %select_n3A, %c0_i32 : i32, i32
  }
  func.func @transform_1(%arg0: i32, %arg1: memref<95xi32, #tpu.memory_space<smem>>) -> (i32, i32, i32) {
    %get3A = arith.index_cast %arg0 : i32 to index
    %get3A_0 = memref.load %arg1[%get3A] : memref<95xi32, #tpu.memory_space<smem>>
    %ge3A = arith.constant 64 : i32
    %ge3A_1 = arith.cmpi sge, %get3A_0, %ge3A : i32
    %jit3A = arith.constant 63 : i32
    %select_n3A = arith.select %ge3A_1, %jit3A, %get3A_0 : i32
    %c0_i32 = arith.constant 0 : i32
    %c0_i32_2 = arith.constant 0 : i32
    %c0_i32_3 = arith.constant 0 : i32
    return %select_n3A, %c0_i32, %c0_i32_2 : i32, i32, i32
  }
  func.func @transform_2(%arg0: i32, %arg1: memref<95xi32, #tpu.memory_space<smem>>) -> (i32, i32, i32) {
    %get3A = arith.index_cast %arg0 : i32 to index
    %get3A_0 = memref.load %arg1[%get3A] : memref<95xi32, #tpu.memory_space<smem>>
    %ge3A = arith.constant 64 : i32
    %ge3A_1 = arith.cmpi sge, %get3A_0, %ge3A : i32
    %jit3A = arith.constant 63 : i32
    %select_n3A = arith.select %ge3A_1, %jit3A, %get3A_0 : i32
    %c0_i32 = arith.constant 0 : i32
    %c0_i32_2 = arith.constant 0 : i32
    %c0_i32_3 = arith.constant 0 : i32
    return %select_n3A, %c0_i32, %c0_i32_2 : i32, i32, i32
  }
  func.func @transform_3(%arg0: i32, %arg1: memref<95xi32, #tpu.memory_space<smem>>) -> (i32, i32, i32) {
    %get3A = arith.index_cast %arg0 : i32 to index
    %get3A_0 = memref.load %arg1[%get3A] : memref<95xi32, #tpu.memory_space<smem>>
    %ge3A = arith.constant 64 : i32
    %ge3A_1 = arith.cmpi sge, %get3A_0, %ge3A : i32
    %jit3A = arith.constant 63 : i32
    %select_n3A = arith.select %ge3A_1, %jit3A, %get3A_0 : i32
    %c0_i32 = arith.constant 0 : i32
    %c0_i32_2 = arith.constant 0 : i32
    %c0_i32_3 = arith.constant 0 : i32
    return %select_n3A, %c0_i32, %c0_i32_2 : i32, i32, i32
  }
  func.func @transform_4(%arg0: i32, %arg1: memref<95xi32, #tpu.memory_space<smem>>) -> (i32, i32) {
    %get3A = arith.index_cast %arg0 : i32 to index
    %get3A_0 = memref.load %arg1[%get3A] : memref<95xi32, #tpu.memory_space<smem>>
    %lt3A = arith.constant 64 : i32
    %lt3A_1 = arith.cmpi slt, %get3A_0, %lt3A : i32
    %jit3A = arith.constant 94 : i32
    %select_n3A = arith.select %lt3A_1, %arg0, %jit3A : i32
    %c0_i32 = arith.constant 0 : i32
    %c0_i32_2 = arith.constant 0 : i32
    return %select_n3A, %c0_i32 : i32, i32
  }
}

</mosaic_0001>

<sc_bundles>
// kernel: kernel.6.cloned.1.call-start
scs
__scs_entry_jumppad:
0x0: {  	(pc) =	sbr.rel $0x88, $3  }
0x1: {  	(tag) =	ssettag $0x0;
	lr =	simm.s32 $0x1  }
0x2: {  	[smem:$0x3F9C] =	sst lr;
	_ =	strace $0xD0000000  }
0x3: {  	_ = 	snop  }
0x4: {  	_ = 	snop  }
0x5: {  	_ = 	snop  }
0x6: {  	_ = 	snop  }
0x7: {  	_ = 	snop  }
__scs_overlays_trampoline_lowered:
0x8: {  	[smem:$0x3FAB] =	sst s0  }
0x9: {  	[smem:$0x3FAC] =	sst s1  }
0xa: {  	[smem:$0x3FAD] =	sst s2  }
0xb: {  	[smem:$0x3FAE] =	sst s3  }
0xc: {  	[smem:$0x3FAF] =	sst s4  }
0xd: {  	[smem:$0x3FB0] =	sst s5  }
0xe: {  	[smem:$0x3FB1] =	sst s6  }
0xf: {  	[smem:$0x3FB2] =	sst s7  }
0x10: {  	[smem:$0x3FB3] =	sst s8  }
0x11: {  	[smem:$0x3FB4] =	sst s9;
	s0 =	simm.s32 @!p0 $0x0  }
0x12: {  	s1 =	sld [smem:$0x3F9A];
	s0 =	simm.s32 @p0 $0x1  }
0x13: {  	[smem:$0x3FB5] =	sst s0;
	s0 =	simm.s32 @!p1 $0x0  }
0x14: {  	s2 =	sld [smem:$0x3F99];
	s0 =	simm.s32 @p1 $0x1  }
0x15: {  	[smem:$0x3FB6] =	sst s0;
	s0 =	simm.s32 @!p2 $0x0  }
0x16: {  	s3 =	sld [smem:$0x3FDB];
	s0 =	simm.s32 @p2 $0x1  }
0x17: {  	s4 =	simm.s32 $0x1BF5;
	[smem:$0x3FB8] =	sst s0  }
0x18: {  	s0 =	sld [smem:$0x3F9B];
	_ =	swait.ge [sflag:s4], $0x0  }
0x19: {  	s7 =	sld [smem:$0x3F9C]  }
0x1a: {  	s8 =	sadd.s32 $0xFFFFE003, lr  }
0x1b: {  	s9 =	sadd.s32 $0xFFFFFEF7, lr;
	s5 =	simm.s32 $0xFFFFFFFF;
	p2 =	slt.u32 s8, $0xFFFFF086  }
0x1c: {  	p1 =	slt.u32 s9, $0xF7A;
	s5 =	simm.s32 @!p2 $0x0  }
0x1d: {  	s5 =	simm.s32 @p1 $0x1;
	p0 =	seq.s32 s7, s2  }
0x1e: {  	s7 =	smul.u32 @!p0 $0xF7A, s2;
	p2 =	seq.s32 @!p0 s5, $0x0  }
0x1f: {  	s9 =	smul.u32 $0xF7A, s1;
	s8 =	simm.s32 @!p0 $0x1BF5;
	p2 =	por !p2, p0  }
0x20: {  	[sflag:s8] =	ssyncset.s32 @!p0 $0xFFFFF086;
	s6 =	sadd.s32 @!p0 s3, s7;
	s7 =	simm.s32 @!p0 $0x108  }
0x21: {  	s3 =	sadd.s32 s3, s9;
	s6 =	sadd.s32 @!p0 $0x88, s6;
	s7 =	simm.s32 @p2 $0x1082  }
0x22: {  	[simem:s7], [sflag:s8] =	dma.local @!p0 [hbm:s6], $0xF7A  }
0x23: {  	s9 =	sor.u32 $0xD0000000, s2;
	s6 =	simm.s32 $0x108;
	_ =	swait.ge @!p0 [sflag:s8], $0x0  }
0x24: {  	s3 =	sadd.s32 $0x88, s3;
	s6 =	simm.s32 @!p1 $0x1082;
	[sflag:s4] =	ssyncset.s32 $0xFFFFF086  }
0x25: {  	[simem:s6], [sflag:s4] =	dma.local [hbm:s3], $0xF7A  }
0x26: {  	[smem:$0x3F9C] =	sst s1;
	(tag) =	ssettag s2;
	_ =	strace s9  }
0x27: {  	s1 =	sld [smem:$0x3FAC]  }
0x28: {  	s2 =	sld [smem:$0x3FAD]  }
0x29: {  	s4 =	sld [smem:$0x3FAF]  }
0x2a: {  	p0 =	seq.s32 s5, $0x0;
	s5 =	sld [smem:$0x3FB0]  }
0x2b: {  	s6 =	sld [smem:$0x3FB1]  }
0x2c: {  	s7 =	sld [smem:$0x3FB2]  }
0x2d: {  	s3 =	simm.s32 $0x108;
	s8 =	sld [smem:$0x3FB3]  }
0x2e: {  	s3 =	simm.s32 @!p0 $0x1082;
	s9 =	sld [smem:$0x3FB4]  }
0x2f: {  	lr =	sadd.s32 s0, s3;
	s0 =	sld [smem:$0x3FAB]  }
0x30: {  	s3 =	sld [smem:$0x3FAE]  }
0x31: {  	[smem:$0x3FB7] =	sst s10  }
0x32: {  	s10 =	sld [smem:$0x3FB5];
	_ =	sdelay $0x3  }
0x33: {  	p0 =	seq.s32 s10, $0x1;
	s10 =	sld [smem:$0x3FB7];
	_ =	sdelay $0x3  }
0x34: {  	[smem:$0x3FB7] =	sst s10  }
0x35: {  	s10 =	sld [smem:$0x3FB6];
	_ =	sdelay $0x3  }
0x36: {  	p1 =	seq.s32 s10, $0x1;
	s10 =	sld [smem:$0x3FB7];
	_ =	sdelay $0x3  }
0x37: {  	[smem:$0x3FB7] =	sst s10  }
0x38: {  	s10 =	sld [smem:$0x3FB8]  }
0x39: {  	_ = 	snop;
	(pc) =	sbr.ind lr, $3  }
0x3a: {  	_ = 	snop  }
0x3b: {  	_ = 	snop  }
0x3c: {  	p2 =	seq.s32 s10, $0x1;
	s10 =	sld [smem:$0x3FB7]  }
0x3d: {  	_ =	shalt  }
0x3e: {  	_ =	shalt  }
0x3f: {  	_ =	shalt  }
0x40: {  	_ =	shalt  }
0x41: {  	_ =	shalt  }
0x42: {  	_ =	shalt  }
0x43: {  	_ =	shalt  }
0x44: {  	_ =	shalt  }
0x45: {  	_ =	shalt  }
0x46: {  	_ =	shalt  }
0x47: {  	_ =	shalt  }
0x48: {  	_ =	shalt  }
0x49: {  	_ =	shalt  }
0x4a: {  	_ =	shalt  }
0x4b: {  	_ =	shalt  }
0x4c: {  	_ =	shalt  }
0x4d: {  	_ =	shalt  }
0x4e: {  	_ =	shalt  }
0x4f: {  	_ =	shalt  }
0x50: {  	_ =	shalt  }
0x51: {  	_ =	shalt  }
0x52: {  	_ =	shalt  }
0x53: {  	_ =	shalt  }
0x54: {  	_ =	shalt  }
0x55: {  	_ =	shalt  }
0x56: {  	_ =	shalt  }
0x57: {  	_ =	shalt  }
0x58: {  	_ =	shalt  }
0x59: {  	_ =	shalt  }
0x5a: {  	_ =	shalt  }
0x5b: {  	_ =	shalt  }
0x5c: {  	_ =	shalt  }
0x5d: {  	_ =	shalt  }
0x5e: {  	_ =	shalt  }
0x5f: {  	_ =	shalt  }
0x60: {  	_ =	shalt  }
0x61: {  	_ =	shalt  }
0x62: {  	_ =	shalt  }
0x63: {  	_ =	shalt  }
0x64: {  	_ =	shalt  }
0x65: {  	_ =	shalt  }
0x66: {  	_ =	shalt  }
0x67: {  	_ =	shalt  }
0x68: {  	_ =	shalt  }
0x69: {  	_ =	shalt  }
0x6a: {  	_ =	shalt  }
0x6b: {  	_ =	shalt  }
0x6c: {  	_ =	shalt  }
0x6d: {  	_ =	shalt  }
0x6e: {  	_ =	shalt  }
0x6f: {  	_ =	shalt  }
0x70: {  	_ =	shalt  }
0x71: {  	_ =	shalt  }
0x72: {  	_ =	shalt  }
0x73: {  	_ =	shalt  }
0x74: {  	_ =	shalt  }
0x75: {  	_ =	shalt  }
0x76: {  	_ =	shalt  }
0x77: {  	_ =	shalt  }
0x78: {  	_ =	shalt  }
0x79: {  	_ =	shalt  }
0x7a: {  	_ =	shalt  }
0x7b: {  	_ =	shalt  }
0x7c: {  	_ =	shalt  }
0x7d: {  	_ =	shalt  }
0x7e: {  	_ =	shalt  }
0x7f: {  	_ =	shalt  }
0x80: {  	_ =	shalt  }
0x81: {  	_ =	shalt  }
0x82: {  	_ =	shalt  }
0x83: {  	_ =	shalt  }
0x84: {  	_ =	shalt  }
0x85: {  	_ =	shalt  }
0x86: {  	_ =	shalt  }
0x87: {  	_ =	shalt  }
.Lfunc_end0:
.L_simem_size_0:
called_computation_lowered:
.L_overlay_start_0:
0x88: {  	s2 =	sld [smem:$0x3FD9]  }
0x89: {  	s3 =	sld [smem:$0x3FFE];
	_ =	sdelay $0x1  }
0x8a: {  	s1 =	srdreg.scid  }
0x8b: {  	s0 =	sand.u32 $0x1, s1  }
0x8c: {  	s14 =	sshll.u32 s0, $0xA;
	s2 =	sadd.s32 s3, s2  }
0x8d: {  	s2 =	sadd.s32 s2, s14  }
0x8e: {  	[smem:$0x3FC3] =	sst s2  }
0x8f: {  	_ = 	snop  }
0x90: {  	s2 =	sld [smem:$0x3FD0];
	_ =	sdelay $0x2  }
0x91: {  	s4 =	simm.s32 $0xA;
	s5 =	simm.s32 $0x10;
	s15 =	sld [smem:$0x3FC9]  }
0x92: {  	[smem:s5], [sflag:s4] =	dma.local [hbm:s2], $0x1  }
0x93: {  	_ =	swait.eq [sflag:s4], $0x1  }
0x94: {  	[sflag:s4] =	ssyncset.done $0x0  }
0x95: {  	[sflag:s4] =	ssyncadd.s32 $0xFFFFFFFF  }
0x96: {  	s16 =	sld [smem:$0x10];
	(tm) =	ssettm $0x1  }
0x97: {  	s17 =	sld [smem:$0x3FFB];
	_ =	sdelay $0x3  }
0x98: {  	_ =	strace s17  }
0x99: {  	s4 =	sld [smem:$0x3FFC];
	_ =	sdelay $0x3  }
0x9a: {  	_ =	strace s4  }
0x9b: {  	s4 =	sld [smem:$0x3FFD];
	_ =	sdelay $0x3  }
0x9c: {  	_ =	strace s4  }
0x9d: {  	_ =	strace $0x8FFFFFFF  }
0x9e: {  	s18 =	sld [smem:$0x3FDB];
	_ =	sdelay $0x1  }
0x9f: {  	s19 =	simm.s32 $_scs_section_size  }
0xa0: {  	s6 =	simm.s32 $_size__tile_overlayer_lowered;
	s7 =	simm.s32 $_tile_overlayer_lowered  }
0xa1: {  	s22 =	simm.s32 $0x1BFF;
	s21 =	sshll.u32 s7, $0x1;
	s4 =	sadd.s32 s19, s18  }
0xa2: {  	s8 =	simm.s32 $0x0;
	s20 =	sshll.u32 s6, $0x1;
	s6 =	sadd.s32 s21, s4  }
0xa3: {  	[timem:s8], [sflag:s22] =	dma.local [hbm:s6], s20  }
0xa4: {  	_ =	swait.ge [sflag:s22], s20  }
0xa5: {  	s5 =	ssub.s32 $0x0, s20;
	[sflag:s22] =	ssyncset.done $0x0  }
0xa6: {  	[sflag:s22] =	ssyncadd.s32 s5;
	_ =	sdelay $0x1  }
0xa7: {  	s23 =	simm.s32 $0x1B8B  }
0xa8: {  	_ =	swait.ge [sflag:s23], $0x1  }
0xa9: {  	[sflag:s23] =	ssyncset.done $0x0  }
0xaa: {  	s25 =	simm.s32 $0x1B8E;
	s24 =	sld [smem:$0x3FFE];
	[sflag:s23] =	ssyncadd.s32 $0xFFFFFFFF  }
0xab: {  	s26 =	simm.s32 $execute0_lowered;
	[smem:$0x3FD2] =	sst s25  }
0xac: {  	s6 =	sshll.u32 s26, $0x1;
	_ =	strace $0x80000046;
	[dreg:$0x1] =	wrdreg $0xFFFFFFFF  }
0xad: {  	s28 =	simm.s32 $_size_execute0_lowered;
	s4 =	sadd.s32 s4, s6;
	[dreg:$0x0] =	wrdreg $0x0  }
0xae: {  	s6 =	sshll.u32 s28, $0x1;
	[dreg:$0x2] =	wrdreg s4  }
0xaf: {  	[dreg:$0x3] =	wrdreg s6  }
0xb0: {  	[dreg:$0x4] =	wrdreg $0xC0  }
0xb1: {  	_ =	task [dreg:s8], $0x5FFFF  }
0xb2: {  	[dreg:$0x1] =	wrdreg $0xFFFFFFFF  }
0xb3: {  	[dreg:$0x0] =	wrdreg $0x60  }
0xb4: {  	[dreg:$0x2] =	wrdreg s15  }
0xb5: {  	[dreg:$0x3] =	wrdreg s16  }
0xb6: {  	[dreg:$0x4] =	wrdreg s24  }
0xb7: {  	[dreg:$0x5] =	wrdreg $0x9  }
0xb8: {  	_ =	task.clear_ibuf [dreg:s8], $0x6FFFF;
	_ =	strace $0x90000046  }
0xb9: {  	s29 =	simm.s32 $0x9;
	_ =	strace $0x80000048  }
0xba: {  	_ =	swait.ge [sflag:s29], $0x1  }
0xbb: {  	[sflag:s29] =	ssyncadd.s32 $0xFFFFFFFF  }
0xbc: {  	_ =	strace $0x90000048  }
0xbd: {  	_ =	sfence  }
0xbe: {  	s30 =	sld [smem:$0x0];
	_ =	sdelay $0x2  }
0xbf: {  	s31 =	sshll.u32 s1, $0xD;
	s1 =	sshrl.u32 s1, $0x2  }
0xc0: {  	s3 =	sand.u32 $0x4000, s31;
	s1 =	sadd.s32 s1, s30  }
0xc1: {  	s0 =	sor.u32 s3, s0;
	s1 =	sshll.u32 s1, $0x11  }
0xc2: {  	s0 =	sor.u32 s1, s0  }
0xc3: {  	s0 =	sadd.s32 $0x8F2B, s0  }
0xc4: {  	[sflag:s0] =	ssyncadd.remote.s32 $0x1  }
0xc5: {  	_ =	sfence.sel $0xFFFF  }
0xc6: {  	[dreg:$0x0] =	wrdreg $0xFFFFFFFF;
	(pc) =	sbr.abs _section_cstart, $3  }
0xc7: {  	[dreg:$0x1] =	wrdreg $0xFFFFFFFF  }
0xc8: {  	_ =	task.clear_ibuf [dreg:s8], $0x2FFFF;
	_ =	strace $0x9FFFFFFF  }
0xc9: {  	(tm) =	ssettm $0x7FFFFFFF  }
tec
execute0_lowered:
.L_overlay_start_1:
0x0: {  	(tag) =	ssettag $0x1  }
0x1: {  	s1 =	srdreg.scid;
	s3 =	rddreg [dreg:$0x0]  }
0x2: {  	s0 =	stileid.u32;
	s4 =	rddreg [dreg:$0x1];
	s1 =	sand.u32 $0x1, s1  }
0x3: {  	s9 =	rddreg [dreg:$0x2];
	s2 =	sshll.u32 s0, $0x7;
	s5 =	sshll.u32 s1, $0x6  }
0x4: {  	s11 =	simm.s32 $0x880;
	s5 =	sor.u32 s5, s2;
	s2 =	simm.s32 $0x0  }
0x5: {  	s12 =	simm.s32 $0x1080;
	s1 =	ssub.s32 $0x2, s1;
	[smem:$0x7FF] =	sst s2  }
0x6: {  	s10 =	sshrl.u32 s1, $0x1;
	_ =	strace $0x80000047;
	[dreg:$0x13] =	wrdreg s11  }
0x7: {  	s1 =	ssub.s32 s1, s10;
	s10 =	simm.s32 $0x2C80;
	[dreg:$0x14] =	wrdreg s12  }
0x8: {  	s13 =	simm.s32 $0x3480;
	[dreg:$0x16] =	wrdreg s10  }
0x9: {  	s14 =	simm.s32 $0x5080;
	[dreg:$0x17] =	wrdreg s13  }
0xa: {  	s15 =	simm.s32 $0x5880;
	s16 =	simm.s32 $0x6080;
	[dreg:$0x19] =	wrdreg s14  }
0xb: {  	s6 =	sshrl.u32 s5, $0x3;
	s7 =	sshll.u32 s5, $0x7;
	[dreg:$0x1a] =	wrdreg s15  }
0xc: {  	s6 =	sadd.s32 s6, s9;
	s11 =	simm.s32 $0x3C80;
	[dreg:$0x1b] =	wrdreg s16  }
0xd: {  	s3 =	sadd.s32 s3, s7;
	s6 =	sadd.s32 $0x8A00, s6;
	[dreg:$0x18] =	wrdreg s11  }
0xe: {  	s28 =	simm.s32 $0x1;
	s17 =	sadd.s32 $0x400, s3;
	[dreg:$0x4] =	wrdreg s6  }
0xf: {  	s30 =	simm.s32 $0x10480;
	s18 =	sadd.s32 $0x800, s3;
	[dreg:$0x5] =	wrdreg s17  }
0x10: {  	s31 =	simm.s32 $0x10C80;
	s19 =	sadd.s32 $0xC00, s3;
	[dreg:$0x6] =	wrdreg s18  }
0x11: {  	s5 =	sshll.u32 s5, $0x4;
	s20 =	sadd.s32 $0x1000, s3;
	[dreg:$0x7] =	wrdreg s19  }
0x12: {  	s4 =	sadd.s32 s4, s5;
	s21 =	sadd.s32 $0x1400, s3;
	[dreg:$0x8] =	wrdreg s20  }
0x13: {  	s5 =	sadd.s32 $0x8C00, s9;
	s22 =	sadd.s32 $0x1800, s3;
	[dreg:$0x9] =	wrdreg s21  }
0x14: {  	s10 =	smax.u32 s1, $0x1;
	s23 =	sadd.s32 $0x1C00, s3;
	[dreg:$0xa] =	wrdreg s22  }
0x15: {  	s12 =	simm.s32 $0x2480;
	s24 =	sadd.s32 $0x80, s4;
	[dreg:$0xb] =	wrdreg s23  }
0x16: {  	s13 =	simm.s32 $0x4880;
	s25 =	sadd.s32 $0x100, s4;
	[dreg:$0xc] =	wrdreg s24  }
0x17: {  	s14 =	simm.s32 $0x6C80;
	s26 =	sadd.s32 $0x180, s4;
	[dreg:$0xd] =	wrdreg s25  }
0x18: {  	s15 =	simm.s32 $0x9080;
	s29 =	sadd.s32 $0x200, s4;
	[dreg:$0xe] =	wrdreg s26  }
0x19: {  	s16 =	simm.s32 $0xB480;
	s0 =	sadd.s32 $0x280, s4;
	[dreg:$0xf] =	wrdreg s29  }
0x1a: {  	s1 =	simm.s32 $0x11480;
	s7 =	sadd.s32 $0x300, s4;
	[dreg:$0x10] =	wrdreg s0  }
0x1b: {  	s8 =	sadd.s32 $0x380, s4;
	s11 =	simm.s32 $0x80;
	[dreg:$0x11] =	wrdreg s7  }
0x1c: {  	[dreg:$0x12] =	wrdreg s8;
	s6 =	sadd.s32 $0x8D00, s9;
	s8 =	simm.s32 $0x1880  }
0x1d: {  	s7 =	sadd.s32 $0x8E00, s9;
	s17 =	simm.s32 $0x7480;
	[dreg:$0x15] =	wrdreg s8  }
0x1e: {  	s18 =	simm.s32 $0x7C80;
	s19 =	simm.s32 $0x8480;
	[dreg:$0x1c] =	wrdreg s17  }
0x1f: {  	s20 =	simm.s32 $0x9880;
	s21 =	simm.s32 $0xA080;
	[dreg:$0x1d] =	wrdreg s18  }
0x20: {  	s22 =	simm.s32 $0xA880;
	s23 =	simm.s32 $0xBC80;
	[dreg:$0x1e] =	wrdreg s19  }
0x21: {  	s24 =	simm.s32 $0xC480;
	s25 =	simm.s32 $0xCC80;
	[dreg:$0x1f] =	wrdreg s20  }
0x22: {  	s26 =	simm.s32 $0xE080;
	s29 =	simm.s32 $0xE880;
	[smem:$0x7F7] =	sst s21  }
0x23: {  	s8 =	sadd.s32 $0x8F00, s9;
	s9 =	sadd.s32 $0x9000, s9;
	[smem:$0x7F8] =	sst s22  }
0x24: {  	s17 =	simm.s32 $0xD880;
	s18 =	simm.s32 $0xFC80;
	[smem:$0x7F9] =	sst s23  }
0x25: {  	s19 =	simm.s32 $0x2080;
	s20 =	simm.s32 $0x4480;
	[smem:$0x7FA] =	sst s24  }
0x26: {  	v2 =	vlaneseq.u32;
	s21 =	simm.s32 $0x6880;
	s22 =	simm.s32 $0x8C80;
	[smem:$0x7FB] =	sst s25  }
0x27: {  	vm0 =	vmmov $0xffff;
	vm1 =	vmmov $0xff;
	v1 =	vshrl.u32 v2, $0x3;
	s23 =	simm.s32 $0xB080;
	[smem:$0x7FC] =	sst s26;
	s24 =	simm.s32 $0xD480  }
0x28: {  	v0 =	vand.u32 $0x7, v2;
	v2 =	vor.u32 $0x8, v2;
	v1 =	vmul.u32 $0x8, v1;
	[smem:$0x7FD] =	sst s29;
	s25 =	simm.s32 $0xF880;
	s26 =	simm.s32 $0x11C80  }
.LBB2_1:
0x29: {  	s0 =	rddreg [dreg:$0x4]  }
0x2a: {  	[tilespmem:s2], [sflag:$0x1] =	stream.linear.gather [hbm4b:s0+s2], $0x40, $0x38;
	[tilespmem:$0x12080] =	vst v63  }
0x2b: {  	_ = 	snop  }
0x2c: {  	[tilespmem:s11], [sflag:$0x1] =	stream.linear.gather [hbm4b:s3+s2], $0x2000, $0x38;
	[tilespmem:$0x12080] =	vst v63  }
0x2d: {  	s0 =	rddreg [dreg:$0x5]  }
0x2e: {  	[tilespmem:s12], [sflag:$0x1] =	stream.linear.gather [hbm4b:s0+s2], $0x2000, $0x38;
	[tilespmem:$0x12080] =	vst v63  }
0x2f: {  	s29 =	rddreg [dreg:$0x6]  }
0x30: {  	[tilespmem:s13], [sflag:$0x1] =	stream.linear.gather [hbm4b:s29+s2], $0x2000, $0x38;
	[tilespmem:$0x12080] =	vst v63  }
0x31: {  	s0 =	rddreg [dreg:$0x7]  }
0x32: {  	[tilespmem:s14], [sflag:$0x1] =	stream.linear.gather [hbm4b:s0+s2], $0x2000, $0x38;
	[tilespmem:$0x12080] =	vst v63  }
0x33: {  	s29 =	rddreg [dreg:$0x8]  }
0x34: {  	[tilespmem:s15], [sflag:$0x1] =	stream.linear.gather [hbm4b:s29+s2], $0x2000, $0x38;
	[tilespmem:$0x12080] =	vst v63  }
0x35: {  	s0 =	rddreg [dreg:$0x9]  }
0x36: {  	[tilespmem:s16], [sflag:$0x1] =	stream.linear.gather [hbm4b:s0+s2], $0x2000, $0x38;
	[tilespmem:$0x12080] =	vst v63  }
0x37: {  	s29 =	rddreg [dreg:$0xa]  }
0x38: {  	[tilespmem:s17], [sflag:$0x1] =	stream.linear.gather [hbm4b:s29+s2], $0x2000, $0x38;
	[tilespmem:$0x12080] =	vst v63  }
0x39: {  	s0 =	rddreg [dreg:$0xb]  }
0x3a: {  	[tilespmem:s18], [sflag:$0x1] =	stream.linear.gather [hbm4b:s0+s2], $0x2000, $0x38;
	[tilespmem:$0x12080] =	vst v63  }
0x3b: {  	_ = 	snop  }
0x3c: {  	[tilespmem:s19], [sflag:$0x1] =	stream.linear.gather [hbm4b:s4+s2], $0x400, $0x38;
	[tilespmem:$0x12080] =	vst v63  }
0x3d: {  	s0 =	rddreg [dreg:$0xc]  }
0x3e: {  	[tilespmem:s20], [sflag:$0x1] =	stream.linear.gather [hbm4b:s0+s2], $0x400, $0x38;
	[tilespmem:$0x12080] =	vst v63  }
0x3f: {  	s29 =	rddreg [dreg:$0xd]  }
0x40: {  	[tilespmem:s21], [sflag:$0x1] =	stream.linear.gather [hbm4b:s29+s2], $0x400, $0x38;
	[tilespmem:$0x12080] =	vst v63  }
0x41: {  	s0 =	rddreg [dreg:$0xe]  }
0x42: {  	[tilespmem:s22], [sflag:$0x1] =	stream.linear.gather [hbm4b:s0+s2], $0x400, $0x38;
	[tilespmem:$0x12080] =	vst v63  }
0x43: {  	s29 =	rddreg [dreg:$0xf]  }
0x44: {  	[tilespmem:s23], [sflag:$0x1] =	stream.linear.gather [hbm4b:s29+s2], $0x400, $0x38;
	[tilespmem:$0x12080] =	vst v63  }
0x45: {  	s0 =	rddreg [dreg:$0x10]  }
0x46: {  	[tilespmem:s24], [sflag:$0x1] =	stream.linear.gather [hbm4b:s0+s2], $0x400, $0x38;
	[tilespmem:$0x12080] =	vst v63  }
0x47: {  	s29 =	rddreg [dreg:$0x11]  }
0x48: {  	[tilespmem:s25], [sflag:$0x1] =	stream.linear.gather [hbm4b:s29+s2], $0x400, $0x38;
	[tilespmem:$0x12080] =	vst v63  }
0x49: {  	s0 =	rddreg [dreg:$0x12]  }
0x4a: {  	[tilespmem:s26], [sflag:$0x1] =	stream.linear.gather [hbm4b:s0+s2], $0x400, $0x38;
	[tilespmem:$0x12080] =	vst v63  }
0x4b: {  	_ =	swait.ge [sflag:s28], $0x40  }
0x4c: {  	[sflag:s28] =	ssyncset.done $0x0  }
0x4d: {  	[sflag:s28] =	ssyncadd.s32 $0xFFFFFFC0  }
0x4e: {  	_ =	swait.ge [sflag:s28], $0x10000  }
0x4f: {  	[sflag:s28] =	ssyncset.done $0x0  }
0x50: {  	[sflag:s28] =	ssyncadd.s32 $0xFFFF0000  }
0x51: {  	_ =	swait.ge [sflag:s28], $0x2000  }
0x52: {  	[sflag:s28] =	ssyncset.done $0x0  }
0x53: {  	[sflag:s28] =	ssyncadd.s32 $0xFFFFE000  }
0x54: {  	v3 =	vld [tilespmem:$0x0];
	_ =	sdelay $0x4  }
0x55: {  	v4 =	vshrl.u32 v3, $0x3  }
0x56: {  	v4 =	vmul.u32 $0x48, v4  }
0x57: {  	v3 =	vand.u32 $0x7, v3  }
0x58: {  	v3 =	vor.u32 v3, v4  }
0x59: {  	v4 =	vperm.xlane v3, v0;
	_ =	sdelay $0x1  }
0x5a: {  	v4 =	vadd.s32 v1, v4;
	_ =	sdelay $0x4  }
0x5b: {  	[hbm4b:s5+s2] =	stream.indirect_vreg.scatter [tilespmem:s11], [sflag:$0x1], $0x80, v4, vm0, $0xb8;
	[tilespmem:$0x12080] =	vst v63  }
0x5c: {  	s0 =	rddreg [dreg:$0x13]  }
0x5d: {  	[hbm4b:s6+s2] =	stream.indirect_vreg.scatter [tilespmem:s0], [sflag:$0x1], $0x80, v4, vm0, $0xb8;
	[tilespmem:$0x12080] =	vst v63  }
0x5e: {  	s29 =	rddreg [dreg:$0x14];
	v3 =	vperm.xlane v3, v2  }
0x5f: {  	[hbm4b:s7+s2] =	stream.indirect_vreg.scatter [tilespmem:s29], [sflag:$0x1], $0x80, v4, vm0, $0xb8;
	[tilespmem:$0x12080] =	vst v63  }
0x60: {  	v3 =	vadd.s32 v1, v3;
	s0 =	rddreg [dreg:$0x15]  }
0x61: {  	[hbm4b:s8+s2] =	stream.indirect_vreg.scatter [tilespmem:s0], [sflag:$0x1], $0x80, v4, vm0, $0xb8;
	[tilespmem:$0x12080] =	vst v63  }
0x62: {  	_ = 	snop  }
0x63: {  	[hbm4b:s9+s2] =	stream.indirect_vreg.scatter [tilespmem:s19], [sflag:$0x1], $0x80, v4, vm1, $0xb8;
	[tilespmem:$0x12080] =	vst v63  }
0x64: {  	_ = 	snop  }
0x65: {  	[hbm4b:s5+s2] =	stream.indirect_vreg.scatter [tilespmem:s12], [sflag:$0x1], $0x80, v3, vm0, $0xb8;
	[tilespmem:$0x12080] =	vst v63  }
0x66: {  	s0 =	rddreg [dreg:$0x16]  }
0x67: {  	[hbm4b:s6+s2] =	stream.indirect_vreg.scatter [tilespmem:s0], [sflag:$0x1], $0x80, v3, vm0, $0xb8;
	[tilespmem:$0x12080] =	vst v63  }
0x68: {  	s29 =	rddreg [dreg:$0x17]  }
0x69: {  	[hbm4b:s7+s2] =	stream.indirect_vreg.scatter [tilespmem:s29], [sflag:$0x1], $0x80, v3, vm0, $0xb8;
	[tilespmem:$0x12080] =	vst v63  }
0x6a: {  	s0 =	rddreg [dreg:$0x18]  }
0x6b: {  	[hbm4b:s8+s2] =	stream.indirect_vreg.scatter [tilespmem:s0], [sflag:$0x1], $0x80, v3, vm0, $0xb8;
	[tilespmem:$0x12080] =	vst v63  }
0x6c: {  	_ = 	snop  }
0x6d: {  	[hbm4b:s9+s2] =	stream.indirect_vreg.scatter [tilespmem:s20], [sflag:$0x1], $0x80, v3, vm1, $0xb8;
	[tilespmem:$0x12080] =	vst v63  }
0x6e: {  	v3 =	vld [tilespmem:$0x10];
	_ =	sdelay $0x4  }
0x6f: {  	v61 =	vshrl.u32 v3, $0x3  }
0x70: {  	v4 =	vmul.u32 $0x48, v61  }
0x71: {  	v3 =	vand.u32 $0x7, v3  }
0x72: {  	v3 =	vor.u32 v3, v4  }
0x73: {  	v4 =	vperm.xlane v3, v0;
	_ =	sdelay $0x1  }
0x74: {  	v4 =	vadd.s32 v1, v4;
	_ =	sdelay $0x4  }
0x75: {  	[hbm4b:s5+s2] =	stream.indirect_vreg.scatter [tilespmem:s13], [sflag:$0x1], $0x80, v4, vm0, $0xb8;
	[tilespmem:$0x12080] =	vst v63  }
0x76: {  	s0 =	rddreg [dreg:$0x19]  }
0x77: {  	[hbm4b:s6+s2] =	stream.indirect_vreg.scatter [tilespmem:s0], [sflag:$0x1], $0x80, v4, vm0, $0xb8;
	[tilespmem:$0x12080] =	vst v63  }
0x78: {  	s29 =	rddreg [dreg:$0x1a];
	v3 =	vperm.xlane v3, v2  }
0x79: {  	[hbm4b:s7+s2] =	stream.indirect_vreg.scatter [tilespmem:s29], [sflag:$0x1], $0x80, v4, vm0, $0xb8;
	[tilespmem:$0x12080] =	vst v63  }
0x7a: {  	v3 =	vadd.s32 v1, v3;
	s0 =	rddreg [dreg:$0x1b]  }
0x7b: {  	[hbm4b:s8+s2] =	stream.indirect_vreg.scatter [tilespmem:s0], [sflag:$0x1], $0x80, v4, vm0, $0xb8;
	[tilespmem:$0x12080] =	vst v63  }
0x7c: {  	_ = 	snop  }
0x7d: {  	[hbm4b:s9+s2] =	stream.indirect_vreg.scatter [tilespmem:s21], [sflag:$0x1], $0x80, v4, vm1, $0xb8;
	[tilespmem:$0x12080] =	vst v63  }
0x7e: {  	_ = 	snop  }
0x7f: {  	[hbm4b:s5+s2] =	stream.indirect_vreg.scatter [tilespmem:s14], [sflag:$0x1], $0x80, v3, vm0, $0xb8;
	[tilespmem:$0x12080] =	vst v63  }
0x80: {  	s0 =	rddreg [dreg:$0x1c]  }
0x81: {  	[hbm4b:s6+s2] =	stream.indirect_vreg.scatter [tilespmem:s0], [sflag:$0x1], $0x80, v3, vm0, $0xb8;
	[tilespmem:$0x12080] =	vst v63  }
0x82: {  	s29 =	rddreg [dreg:$0x1d]  }
0x83: {  	[hbm4b:s7+s2] =	stream.indirect_vreg.scatter [tilespmem:s29], [sflag:$0x1], $0x80, v3, vm0, $0xb8;
	[tilespmem:$0x12080] =	vst v63  }
0x84: {  	s0 =	rddreg [dreg:$0x1e]  }
0x85: {  	[hbm4b:s8+s2] =	stream.indirect_vreg.scatter [tilespmem:s0], [sflag:$0x1], $0x80, v3, vm0, $0xb8;
	[tilespmem:$0x12080] =	vst v63  }
0x86: {  	_ = 	snop  }
0x87: {  	[hbm4b:s9+s2] =	stream.indirect_vreg.scatter [tilespmem:s22], [sflag:$0x1], $0x80, v3, vm1, $0xb8;
	[tilespmem:$0x12080] =	vst v63  }
0x88: {  	v3 =	vld [tilespmem:$0x20];
	_ =	sdelay $0x4  }
0x89: {  	v62 =	vshrl.u32 v3, $0x3  }
0x8a: {  	v4 =	vmul.u32 $0x48, v62  }
0x8b: {  	v3 =	vand.u32 $0x7, v3  }
0x8c: {  	v3 =	vor.u32 v3, v4  }
0x8d: {  	v4 =	vperm.xlane v3, v0;
	_ =	sdelay $0x1  }
0x8e: {  	v4 =	vadd.s32 v1, v4;
	_ =	sdelay $0x3  }
0x8f: {  	s29 =	sld [smem:$0x7F7]  }
0x90: {  	[hbm4b:s5+s2] =	stream.indirect_vreg.scatter [tilespmem:s15], [sflag:$0x1], $0x80, v4, vm0, $0xb8;
	[tilespmem:$0x12080] =	vst v63  }
0x91: {  	s0 =	rddreg [dreg:$0x1f]  }
0x92: {  	[hbm4b:s6+s2] =	stream.indirect_vreg.scatter [tilespmem:s0], [sflag:$0x1], $0x80, v4, vm0, $0xb8;
	[tilespmem:$0x12080] =	vst v63  }
0x93: {  	v3 =	vperm.xlane v3, v2;
	s0 =	sld [smem:$0x7F8]  }
0x94: {  	[hbm4b:s7+s2] =	stream.indirect_vreg.scatter [tilespmem:s29], [sflag:$0x1], $0x80, v4, vm0, $0xb8;
	[tilespmem:$0x12080] =	vst v63  }
0x95: {  	v3 =	vadd.s32 v1, v3  }
0x96: {  	[hbm4b:s8+s2] =	stream.indirect_vreg.scatter [tilespmem:s0], [sflag:$0x1], $0x80, v4, vm0, $0xb8;
	[tilespmem:$0x12080] =	vst v63  }
0x97: {  	_ = 	snop  }
0x98: {  	[hbm4b:s9+s2] =	stream.indirect_vreg.scatter [tilespmem:s23], [sflag:$0x1], $0x80, v4, vm1, $0xb8;
	[tilespmem:$0x12080] =	vst v63  }
0x99: {  	s0 =	sld [smem:$0x7F9]  }
0x9a: {  	[hbm4b:s5+s2] =	stream.indirect_vreg.scatter [tilespmem:s16], [sflag:$0x1], $0x80, v3, vm0, $0xb8;
	[tilespmem:$0x12080] =	vst v63  }
0x9b: {  	s29 =	sld [smem:$0x7FA]  }
0x9c: {  	[hbm4b:s6+s2] =	stream.indirect_vreg.scatter [tilespmem:s0], [sflag:$0x1], $0x80, v3, vm0, $0xb8;
	[tilespmem:$0x12080] =	vst v63  }
0x9d: {  	s0 =	sld [smem:$0x7FB]  }
0x9e: {  	[hbm4b:s7+s2] =	stream.indirect_vreg.scatter [tilespmem:s29], [sflag:$0x1], $0x80, v3, vm0, $0xb8;
	[tilespmem:$0x12080] =	vst v63  }
0x9f: {  	_ = 	snop  }
0xa0: {  	[hbm4b:s8+s2] =	stream.indirect_vreg.scatter [tilespmem:s0], [sflag:$0x1], $0x80, v3, vm0, $0xb8;
	[tilespmem:$0x12080] =	vst v63  }
0xa1: {  	_ = 	snop  }
0xa2: {  	[hbm4b:s9+s2] =	stream.indirect_vreg.scatter [tilespmem:s24], [sflag:$0x1], $0x80, v3, vm1, $0xb8;
	[tilespmem:$0x12080] =	vst v63  }
0xa3: {  	v3 =	vld [tilespmem:$0x30];
	_ =	sdelay $0x4  }
0xa4: {  	v63 =	vshrl.u32 v3, $0x3  }
0xa5: {  	v4 =	vmul.u32 $0x48, v63  }
0xa6: {  	v3 =	vand.u32 $0x7, v3  }
0xa7: {  	v3 =	vor.u32 v3, v4  }
0xa8: {  	v4 =	vperm.xlane v3, v0;
	_ =	sdelay $0x1  }
0xa9: {  	v4 =	vadd.s32 v1, v4;
	_ =	sdelay $0x3  }
0xaa: {  	s0 =	sld [smem:$0x7FC]  }
0xab: {  	[hbm4b:s5+s2] =	stream.indirect_vreg.scatter [tilespmem:s17], [sflag:$0x1], $0x80, v4, vm0, $0xb8;
	[tilespmem:$0x12080] =	vst v63  }
0xac: {  	s29 =	sld [smem:$0x7FD]  }
0xad: {  	[hbm4b:s6+s2] =	stream.indirect_vreg.scatter [tilespmem:s0], [sflag:$0x1], $0x80, v4, vm0, $0xb8;
	[tilespmem:$0x12080] =	vst v63  }
0xae: {  	v3 =	vperm.xlane v3, v2  }
0xaf: {  	[hbm4b:s7+s2] =	stream.indirect_vreg.scatter [tilespmem:s29], [sflag:$0x1], $0x80, v4, vm0, $0xb8;
	[tilespmem:$0x12080] =	vst v63  }
0xb0: {  	v3 =	vadd.s32 v1, v3;
	s29 =	simm.s32 $0xF080  }
0xb1: {  	[hbm4b:s8+s2] =	stream.indirect_vreg.scatter [tilespmem:s29], [sflag:$0x1], $0x80, v4, vm0, $0xb8;
	[tilespmem:$0x12080] =	vst v63  }
0xb2: {  	_ = 	snop  }
0xb3: {  	[hbm4b:s9+s2] =	stream.indirect_vreg.scatter [tilespmem:s25], [sflag:$0x1], $0x80, v4, vm1, $0xb8;
	[tilespmem:$0x12080] =	vst v63  }
0xb4: {  	_ = 	snop  }
0xb5: {  	[hbm4b:s5+s2] =	stream.indirect_vreg.scatter [tilespmem:s18], [sflag:$0x1], $0x80, v3, vm0, $0xb8;
	[tilespmem:$0x12080] =	vst v63  }
0xb6: {  	_ = 	snop  }
0xb7: {  	[hbm4b:s6+s2] =	stream.indirect_vreg.scatter [tilespmem:s30], [sflag:$0x1], $0x80, v3, vm0, $0xb8;
	[tilespmem:$0x12080] =	vst v63  }
0xb8: {  	_ = 	snop  }
0xb9: {  	[hbm4b:s7+s2] =	stream.indirect_vreg.scatter [tilespmem:s31], [sflag:$0x1], $0x80, v3, vm0, $0xb8;
	[tilespmem:$0x12080] =	vst v63  }
0xba: {  	p0 =	sne.s32 s10, $0x1  }
0xbb: {  	[hbm4b:s8+s2] =	stream.indirect_vreg.scatter [tilespmem:s1], [sflag:$0x1], $0x80, v3, vm0, $0xb8;
	[tilespmem:$0x12080] =	vst v63  }
.Ltmp0:
0xbc: {  	_ = 	snop;
	(pc) =	sbr.rel @p0 .LBB2_1-.Ltmp0, $4  }
0xbd: {  	[hbm4b:s9+s2] =	stream.indirect_vreg.scatter [tilespmem:s26], [sflag:$0x1], $0x80, v3, vm1, $0xb8;
	[tilespmem:$0x12080] =	vst v63  }
0xbe: {  	_ =	swait.ge [sflag:s28], $0x12000  }
0xbf: {  	[sflag:s28] =	ssyncset.done $0x0  }
0xc0: {  	s10 =	sadd.s32 $0xFFFFFFFF, s10;
	[sflag:s28] =	ssyncadd.s32 $0xFFFEE000  }
0xc1: {  	_ =	sfence.sel $0x180000  }
0xc2: {  	[bflag:$0x0] =	sbarrier.arrive $0xFFFF  }
0xc3: {  	_ =	strace $0x90000047  }
0xc4: {  	s0 =	stileid.u32;
	[bflag:$0x2] =	sbarrier.arrive $0xFFFF  }
0xc5: {  	p0 =	sne.s32 s0, $0x0;
	s0 =	rddreg [dreg:$0x3]  }
0xc6: {  	s0 =	sadd.s32 @!p0 $0x100000, s0  }
0xc7: {  	[sflag:s0] =	ssyncadd.tile.s32 @!p0 $0x1;
	_ =	shalt  }
.Lfunc_end2:
_tile_overlayer_lowered:
.L_overlay_start_2:
0xc8: {  	(tag) =	ssettag $0x2  }
0xc9: {  	s0 =	rddreg [dreg:$0x0];
	s2 =	stileid.u32  }
0xca: {  	s1 =	rddreg [dreg:$0x1];
	p0 =	sne.s32 s2, $0x0  }
0xcb: {  	s3 =	rddreg [dreg:$0x2];
	[bflag:$0x3] =	sbarrier.arrive $0xFFFF;
	s2 =	simm.s32 @!p0 $0x1C02  }
0xcc: {  	[timem:s3], [sflag:s2] =	dma.local @!p0 [hbm:s0], s1  }
0xcd: {  	s0 =	simm.s32 @!p0 $0x2  }
0xce: {  	_ =	swait.ge @!p0 [sflag:s0], s1  }
0xcf: {  	s1 =	ssub.s32 @!p0 $0x0, s1;
	[sflag:s0] =	ssyncset.done @!p0 $0x0  }
0xd0: {  	[sflag:s0] =	ssyncadd.s32 @!p0 s1  }
0xd1: {  	[bflag:$0x3] =	sbarrier.arrive $0xFFFF  }
0xd2: {  	_ =	shalt  }

// kernel: kernel.9.cloned.1.call-start
scs
__scs_entry_jumppad:
0x0: {  	(pc) =	sbr.rel $0x88, $3  }
0x1: {  	(tag) =	ssettag $0x0;
	lr =	simm.s32 $0x1  }
0x2: {  	[smem:$0x3F9C] =	sst lr;
	_ =	strace $0xD0000000  }
0x3: {  	_ = 	snop  }
0x4: {  	_ = 	snop  }
0x5: {  	_ = 	snop  }
0x6: {  	_ = 	snop  }
0x7: {  	_ = 	snop  }
__scs_overlays_trampoline_lowered:
0x8: {  	[smem:$0x3FAB] =	sst s0  }
0x9: {  	[smem:$0x3FAC] =	sst s1  }
0xa: {  	[smem:$0x3FAD] =	sst s2  }
0xb: {  	[smem:$0x3FAE] =	sst s3  }
0xc: {  	[smem:$0x3FAF] =	sst s4  }
0xd: {  	[smem:$0x3FB0] =	sst s5  }
0xe: {  	[smem:$0x3FB1] =	sst s6  }
0xf: {  	[smem:$0x3FB2] =	sst s7  }
0x10: {  	[smem:$0x3FB3] =	sst s8  }
0x11: {  	[smem:$0x3FB4] =	sst s9;
	s0 =	simm.s32 @!p0 $0x0  }
0x12: {  	s1 =	sld [smem:$0x3F9A];
	s0 =	simm.s32 @p0 $0x1  }
0x13: {  	[smem:$0x3FB5] =	sst s0;
	s0 =	simm.s32 @!p1 $0x0  }
0x14: {  	s2 =	sld [smem:$0x3F99];
	s0 =	simm.s32 @p1 $0x1  }
0x15: {  	[smem:$0x3FB6] =	sst s0;
	s0 =	simm.s32 @!p2 $0x0  }
0x16: {  	s3 =	sld [smem:$0x3FDB];
	s0 =	simm.s32 @p2 $0x1  }
0x17: {  	s4 =	simm.s32 $0x1BF5;
	[smem:$0x3FB8] =	sst s0  }
0x18: {  	s0 =	sld [smem:$0x3F9B];
	_ =	swait.ge [sflag:s4], $0x0  }
0x19: {  	s7 =	sld [smem:$0x3F9C]  }
0x1a: {  	s8 =	sadd.s32 $0xFFFFE003, lr  }
0x1b: {  	s9 =	sadd.s32 $0xFFFFFEF7, lr;
	s5 =	simm.s32 $0xFFFFFFFF;
	p2 =	slt.u32 s8, $0xFFFFF086  }
0x1c: {  	p1 =	slt.u32 s9, $0xF7A;
	s5 =	simm.s32 @!p2 $0x0  }
0x1d: {  	s5 =	simm.s32 @p1 $0x1;
	p0 =	seq.s32 s7, s2  }
0x1e: {  	s7 =	smul.u32 @!p0 $0xF7A, s2;
	p2 =	seq.s32 @!p0 s5, $0x0  }
0x1f: {  	s9 =	smul.u32 $0xF7A, s1;
	s8 =	simm.s32 @!p0 $0x1BF5;
	p2 =	por !p2, p0  }
0x20: {  	[sflag:s8] =	ssyncset.s32 @!p0 $0xFFFFF086;
	s6 =	sadd.s32 @!p0 s3, s7;
	s7 =	simm.s32 @!p0 $0x108  }
0x21: {  	s3 =	sadd.s32 s3, s9;
	s6 =	sadd.s32 @!p0 $0x88, s6;
	s7 =	simm.s32 @p2 $0x1082  }
0x22: {  	[simem:s7], [sflag:s8] =	dma.local @!p0 [hbm:s6], $0xF7A  }
0x23: {  	s9 =	sor.u32 $0xD0000000, s2;
	s6 =	simm.s32 $0x108;
	_ =	swait.ge @!p0 [sflag:s8], $0x0  }
0x24: {  	s3 =	sadd.s32 $0x88, s3;
	s6 =	simm.s32 @!p1 $0x1082;
	[sflag:s4] =	ssyncset.s32 $0xFFFFF086  }
0x25: {  	[simem:s6], [sflag:s4] =	dma.local [hbm:s3], $0xF7A  }
0x26: {  	[smem:$0x3F9C] =	sst s1;
	(tag) =	ssettag s2;
	_ =	strace s9  }
0x27: {  	s1 =	sld [smem:$0x3FAC]  }
0x28: {  	s2 =	sld [smem:$0x3FAD]  }
0x29: {  	s4 =	sld [smem:$0x3FAF]  }
0x2a: {  	p0 =	seq.s32 s5, $0x0;
	s5 =	sld [smem:$0x3FB0]  }
0x2b: {  	s6 =	sld [smem:$0x3FB1]  }
0x2c: {  	s7 =	sld [smem:$0x3FB2]  }
0x2d: {  	s3 =	simm.s32 $0x108;
	s8 =	sld [smem:$0x3FB3]  }
0x2e: {  	s3 =	simm.s32 @!p0 $0x1082;
	s9 =	sld [smem:$0x3FB4]  }
0x2f: {  	lr =	sadd.s32 s0, s3;
	s0 =	sld [smem:$0x3FAB]  }
0x30: {  	s3 =	sld [smem:$0x3FAE]  }
0x31: {  	[smem:$0x3FB7] =	sst s10  }
0x32: {  	s10 =	sld [smem:$0x3FB5];
	_ =	sdelay $0x3  }
0x33: {  	p0 =	seq.s32 s10, $0x1;
	s10 =	sld [smem:$0x3FB7];
	_ =	sdelay $0x3  }
0x34: {  	[smem:$0x3FB7] =	sst s10  }
0x35: {  	s10 =	sld [smem:$0x3FB6];
	_ =	sdelay $0x3  }
0x36: {  	p1 =	seq.s32 s10, $0x1;
	s10 =	sld [smem:$0x3FB7];
	_ =	sdelay $0x3  }
0x37: {  	[smem:$0x3FB7] =	sst s10  }
0x38: {  	s10 =	sld [smem:$0x3FB8]  }
0x39: {  	_ = 	snop;
	(pc) =	sbr.ind lr, $3  }
0x3a: {  	_ = 	snop  }
0x3b: {  	_ = 	snop  }
0x3c: {  	p2 =	seq.s32 s10, $0x1;
	s10 =	sld [smem:$0x3FB7]  }
0x3d: {  	_ =	shalt  }
0x3e: {  	_ =	shalt  }
0x3f: {  	_ =	shalt  }
0x40: {  	_ =	shalt  }
0x41: {  	_ =	shalt  }
0x42: {  	_ =	shalt  }
0x43: {  	_ =	shalt  }
0x44: {  	_ =	shalt  }
0x45: {  	_ =	shalt  }
0x46: {  	_ =	shalt  }
0x47: {  	_ =	shalt  }
0x48: {  	_ =	shalt  }
0x49: {  	_ =	shalt  }
0x4a: {  	_ =	shalt  }
0x4b: {  	_ =	shalt  }
0x4c: {  	_ =	shalt  }
0x4d: {  	_ =	shalt  }
0x4e: {  	_ =	shalt  }
0x4f: {  	_ =	shalt  }
0x50: {  	_ =	shalt  }
0x51: {  	_ =	shalt  }
0x52: {  	_ =	shalt  }
0x53: {  	_ =	shalt  }
0x54: {  	_ =	shalt  }
0x55: {  	_ =	shalt  }
0x56: {  	_ =	shalt  }
0x57: {  	_ =	shalt  }
0x58: {  	_ =	shalt  }
0x59: {  	_ =	shalt  }
0x5a: {  	_ =	shalt  }
0x5b: {  	_ =	shalt  }
0x5c: {  	_ =	shalt  }
0x5d: {  	_ =	shalt  }
0x5e: {  	_ =	shalt  }
0x5f: {  	_ =	shalt  }
0x60: {  	_ =	shalt  }
0x61: {  	_ =	shalt  }
0x62: {  	_ =	shalt  }
0x63: {  	_ =	shalt  }
0x64: {  	_ =	shalt  }
0x65: {  	_ =	shalt  }
0x66: {  	_ =	shalt  }
0x67: {  	_ =	shalt  }
0x68: {  	_ =	shalt  }
0x69: {  	_ =	shalt  }
0x6a: {  	_ =	shalt  }
0x6b: {  	_ =	shalt  }
0x6c: {  	_ =	shalt  }
0x6d: {  	_ =	shalt  }
0x6e: {  	_ =	shalt  }
0x6f: {  	_ =	shalt  }
0x70: {  	_ =	shalt  }
0x71: {  	_ =	shalt  }
0x72: {  	_ =	shalt  }
0x73: {  	_ =	shalt  }
0x74: {  	_ =	shalt  }
0x75: {  	_ =	shalt  }
0x76: {  	_ =	shalt  }
0x77: {  	_ =	shalt  }
0x78: {  	_ =	shalt  }
0x79: {  	_ =	shalt  }
0x7a: {  	_ =	shalt  }
0x7b: {  	_ =	shalt  }
0x7c: {  	_ =	shalt  }
0x7d: {  	_ =	shalt  }
0x7e: {  	_ =	shalt  }
0x7f: {  	_ =	shalt  }
0x80: {  	_ =	shalt  }
0x81: {  	_ =	shalt  }
0x82: {  	_ =	shalt  }
0x83: {  	_ =	shalt  }
0x84: {  	_ =	shalt  }
0x85: {  	_ =	shalt  }
0x86: {  	_ =	shalt  }
0x87: {  	_ =	shalt  }
.Lfunc_end0:
.L_simem_size_0:
called_computation.1_lowered:
.L_overlay_start_0:
0x88: {  	s2 =	sld [smem:$0x3FD9]  }
0x89: {  	s3 =	sld [smem:$0x3FFE];
	_ =	sdelay $0x1  }
0x8a: {  	s1 =	srdreg.scid  }
0x8b: {  	s0 =	sand.u32 $0x1, s1  }
0x8c: {  	s14 =	sshll.u32 s0, $0xA;
	s2 =	sadd.s32 s3, s2  }
0x8d: {  	s2 =	sadd.s32 s2, s14  }
0x8e: {  	[smem:$0x3FC3] =	sst s2  }
0x8f: {  	_ = 	snop  }
0x90: {  	s2 =	sld [smem:$0x3FD0];
	_ =	sdelay $0x2  }
0x91: {  	s15 =	simm.s32 $0xA;
	s4 =	simm.s32 $0x10  }
0x92: {  	[smem:s4], [sflag:s15] =	dma.local [hbm:s2], $0x1  }
0x93: {  	_ =	swait.eq [sflag:s15], $0x1  }
0x94: {  	[sflag:s15] =	ssyncset.done $0x0  }
0x95: {  	[sflag:s15] =	ssyncadd.s32 $0xFFFFFFFF  }
0x96: {  	s16 =	sld [smem:$0x10];
	(tm) =	ssettm $0x1  }
0x97: {  	s17 =	sld [smem:$0x3FFB];
	_ =	sdelay $0x3  }
0x98: {  	_ =	strace s17  }
0x99: {  	s3 =	sld [smem:$0x3FFC];
	_ =	sdelay $0x3  }
0x9a: {  	_ =	strace s3  }
0x9b: {  	s3 =	sld [smem:$0x3FFD];
	_ =	sdelay $0x3  }
0x9c: {  	_ =	strace s3  }
0x9d: {  	_ =	strace $0x8FFFFFFF  }
0x9e: {  	s18 =	sld [smem:$0x3FDB];
	_ =	sdelay $0x1  }
0x9f: {  	s19 =	simm.s32 $_scs_section_size  }
0xa0: {  	s5 =	simm.s32 $_size__tile_overlayer_lowered;
	s6 =	simm.s32 $_tile_overlayer_lowered  }
0xa1: {  	s22 =	simm.s32 $0x1BFF;
	s21 =	sshll.u32 s6, $0x1;
	s3 =	sadd.s32 s19, s18  }
0xa2: {  	s7 =	simm.s32 $0x0;
	s20 =	sshll.u32 s5, $0x1;
	s5 =	sadd.s32 s21, s3  }
0xa3: {  	[timem:s7], [sflag:s22] =	dma.local [hbm:s5], s20  }
0xa4: {  	_ =	swait.ge [sflag:s22], s20  }
0xa5: {  	s4 =	ssub.s32 $0x0, s20;
	[sflag:s22] =	ssyncset.done $0x0  }
0xa6: {  	[sflag:s22] =	ssyncadd.s32 s4;
	_ =	sdelay $0x1  }
0xa7: {  	s23 =	simm.s32 $0x1B8B  }
0xa8: {  	_ =	swait.ge [sflag:s23], $0x1  }
0xa9: {  	[sflag:s23] =	ssyncset.done $0x0  }
0xaa: {  	s25 =	simm.s32 $0x1B8E;
	s24 =	sld [smem:$0x3FFE];
	[sflag:s23] =	ssyncadd.s32 $0xFFFFFFFF  }
0xab: {  	s26 =	simm.s32 $execute0_lowered;
	[smem:$0x3FD2] =	sst s25  }
0xac: {  	s5 =	sshll.u32 s26, $0x1;
	_ =	strace $0x80000049;
	[dreg:$0x1] =	wrdreg $0xFFFFFFFF  }
0xad: {  	s28 =	simm.s32 $_size_execute0_lowered;
	s3 =	sadd.s32 s3, s5;
	[dreg:$0x0] =	wrdreg $0x0  }
0xae: {  	s5 =	sshll.u32 s28, $0x1;
	[dreg:$0x2] =	wrdreg s3  }
0xaf: {  	[dreg:$0x3] =	wrdreg s5  }
0xb0: {  	[dreg:$0x4] =	wrdreg $0xC0  }
0xb1: {  	_ =	task [dreg:s7], $0x5FFFF  }
0xb2: {  	[dreg:$0x1] =	wrdreg $0xFFFFFFFF  }
0xb3: {  	[dreg:$0x0] =	wrdreg $0x60  }
0xb4: {  	[dreg:$0x2] =	wrdreg s24  }
0xb5: {  	[dreg:$0x3] =	wrdreg s16  }
0xb6: {  	[dreg:$0x4] =	wrdreg $0x9  }
0xb7: {  	_ =	task.clear_ibuf [dreg:s7], $0x5FFFF;
	_ =	strace $0x90000049  }
0xb8: {  	s29 =	simm.s32 $0x9;
	_ =	strace $0x8000004B  }
0xb9: {  	_ =	swait.ge [sflag:s29], $0x1  }
0xba: {  	[sflag:s29] =	ssyncadd.s32 $0xFFFFFFFF  }
0xbb: {  	_ =	strace $0x9000004B  }
0xbc: {  	_ =	sfence  }
0xbd: {  	s30 =	sld [smem:$0x0];
	_ =	sdelay $0x2  }
0xbe: {  	s31 =	sshll.u32 s1, $0xD;
	s1 =	sshrl.u32 s1, $0x2  }
0xbf: {  	s3 =	sand.u32 $0x4000, s31;
	s1 =	sadd.s32 s1, s30  }
0xc0: {  	s0 =	sor.u32 s3, s0;
	s1 =	sshll.u32 s1, $0x11  }
0xc1: {  	s0 =	sor.u32 s1, s0  }
0xc2: {  	s0 =	sadd.s32 $0x8F2B, s0  }
0xc3: {  	[sflag:s0] =	ssyncadd.remote.s32 $0x1  }
0xc4: {  	_ =	sfence.sel $0xFFFF  }
0xc5: {  	[dreg:$0x0] =	wrdreg $0xFFFFFFFF;
	(pc) =	sbr.abs _section_cstart, $3  }
0xc6: {  	[dreg:$0x1] =	wrdreg $0xFFFFFFFF  }
0xc7: {  	_ =	task.clear_ibuf [dreg:s7], $0x2FFFF;
	_ =	strace $0x9FFFFFFF  }
0xc8: {  	(tm) =	ssettm $0x7FFFFFFF  }
0xc9: {  	_ =	shalt  }
tec
execute0_lowered:
.L_overlay_start_1:
0x0: {  	(tag) =	ssettag $0x1  }
0x1: {  	s1 =	srdreg.scid  }
0x2: {  	s0 =	stileid.u32;
	s6 =	rddreg [dreg:$0x0]  }
0x3: {  	s4 =	rddreg [dreg:$0x1];
	s18 =	simm.s32 $0x880;
	s19 =	simm.s32 $0x1080  }
0x4: {  	s20 =	simm.s32 $0x1880;
	s22 =	simm.s32 $0x2080;
	s23 =	simm.s32 $0x2880  }
0x5: {  	s7 =	simm.s32 $0x3080;
	s24 =	simm.s32 $0x3880;
	s8 =	simm.s32 $0x4080  }
0x6: {  	s25 =	simm.s32 $0x4880;
	s26 =	simm.s32 $0x5080;
	s1 =	sand.u32 $0x1, s1  }
0x7: {  	s9 =	simm.s32 $0x80;
	s2 =	sshll.u32 s0, $0x7;
	s3 =	sshll.u32 s1, $0x6  }
0x8: {  	s11 =	simm.s32 $0x6080;
	s3 =	sor.u32 s3, s2;
	s2 =	simm.s32 $0x0  }
0x9: {  	s12 =	simm.s32 $0x6880;
	s13 =	simm.s32 $0x7080;
	[smem:$0x7FF] =	sst s2  }
0xa: {  	s14 =	simm.s32 $0x7880;
	_ =	strace $0x8000004A;
	[dreg:$0x5] =	wrdreg s18  }
0xb: {  	s15 =	simm.s32 $0x8080;
	s16 =	simm.s32 $0x8880;
	[dreg:$0x6] =	wrdreg s19  }
0xc: {  	s17 =	simm.s32 $0x9080;
	s28 =	simm.s32 $0xE080;
	[dreg:$0x7] =	wrdreg s20  }
0xd: {  	s29 =	simm.s32 $0xE880;
	s30 =	simm.s32 $0xF080;
	[dreg:$0x8] =	wrdreg s22  }
0xe: {  	s31 =	simm.s32 $0xF880;
	s1 =	ssub.s32 $0x2, s1;
	[dreg:$0x9] =	wrdreg s23  }
0xf: {  	s21 =	sshrl.u32 s1, $0x1;
	s5 =	sshrl.u32 s3, $0x3;
	[dreg:$0xa] =	wrdreg s7  }
0x10: {  	s3 =	sshll.u32 s3, $0x7;
	s1 =	ssub.s32 s1, s21;
	[dreg:$0xb] =	wrdreg s24  }
0x11: {  	s21 =	simm.s32 $0xB080;
	s5 =	sadd.s32 s5, s6;
	[dreg:$0xc] =	wrdreg s8  }
0x12: {  	s3 =	sadd.s32 s4, s3;
	s4 =	sadd.s32 $0xDE900, s6;
	[dreg:$0xd] =	wrdreg s25  }
0x13: {  	s7 =	smax.u32 s1, $0x1;
	s8 =	simm.s32 $0x2;
	[dreg:$0xe] =	wrdreg s26  }
0x14: {  	s18 =	simm.s32 $0x9880;
	s19 =	simm.s32 $0xA080;
	s20 =	simm.s32 $0xA880  }
0x15: {  	s22 =	simm.s32 $0xB880;
	s23 =	simm.s32 $0xC080;
	s24 =	simm.s32 $0xC880  }
0x16: {  	v2 =	vlaneseq.u32;
	s25 =	simm.s32 $0xD080;
	s26 =	simm.s32 $0xD880;
	s1 =	simm.s32 $0x1  }
0x17: {  	vm0 =	vmmov $0xffff;
	v1 =	vshrl.u32 v2, $0x3;
	s5 =	sadd.s32 $0x8A00, s5;
	[dreg:$0x4] =	wrdreg s3;
	s3 =	sadd.s32 $0xDE800, s6  }
0x18: {  	v0 =	vand.u32 $0x7, v2;
	v2 =	vor.u32 $0x8, v2;
	v1 =	vmul.u32 $0x8, v1;
	[dreg:$0x3] =	wrdreg s5;
	s5 =	sadd.s32 $0xDEA00, s6;
	s6 =	sadd.s32 $0xDEB00, s6  }
.LBB2_1:
0x19: {  	s0 =	rddreg [dreg:$0x3]  }
0x1a: {  	[tilespmem:s2], [sflag:$0x2] =	stream.linear.gather [hbm4b:s0+s2], $0x40, $0x38;
	[tilespmem:$0x10080] =	vst v63  }
0x1b: {  	_ =	swait.ge [sflag:s8], $0x40  }
0x1c: {  	[sflag:s8] =	ssyncset.done $0x0  }
0x1d: {  	[sflag:s8] =	ssyncadd.s32 $0xFFFFFFC0  }
0x1e: {  	v3 =	vld [tilespmem:$0x0];
	_ =	sdelay $0x4  }
0x1f: {  	v4 =	vshll.u32 v3, $0x3  }
0x20: {  	v3 =	vand.u32 $0x7, v3;
	v4 =	vand.u32 $0xFFFFFFC0, v4  }
0x21: {  	v3 =	vor.u32 v3, v4  }
0x22: {  	v4 =	vperm.xlane v3, v0;
	_ =	sdelay $0x1  }
0x23: {  	v4 =	vadd.s32 v1, v4;
	_ =	sdelay $0x4  }
0x24: {  	[tilespmem:s9], [sflag:$0x1] =	stream.indirect_vreg.gather [hbm4b:s3+s2], $0x80, v4, vm0, $0xb8;
	[tilespmem:$0x10080] =	vst v63  }
0x25: {  	s0 =	rddreg [dreg:$0x5];
	v3 =	vperm.xlane v3, v2  }
0x26: {  	[tilespmem:s0], [sflag:$0x1] =	stream.indirect_vreg.gather [hbm4b:s4+s2], $0x80, v4, vm0, $0xb8;
	[tilespmem:$0x10080] =	vst v63  }
0x27: {  	s10 =	rddreg [dreg:$0x6];
	v3 =	vadd.s32 v1, v3  }
0x28: {  	[tilespmem:s10], [sflag:$0x1] =	stream.indirect_vreg.gather [hbm4b:s5+s2], $0x80, v4, vm0, $0xb8;
	[tilespmem:$0x10080] =	vst v63  }
0x29: {  	s0 =	rddreg [dreg:$0x7]  }
0x2a: {  	[tilespmem:s0], [sflag:$0x1] =	stream.indirect_vreg.gather [hbm4b:s6+s2], $0x80, v4, vm0, $0xb8;
	[tilespmem:$0x10080] =	vst v63  }
0x2b: {  	s10 =	rddreg [dreg:$0x8]  }
0x2c: {  	[tilespmem:s10], [sflag:$0x1] =	stream.indirect_vreg.gather [hbm4b:s3+s2], $0x80, v3, vm0, $0xb8;
	[tilespmem:$0x10080] =	vst v63  }
0x2d: {  	s0 =	rddreg [dreg:$0x9]  }
0x2e: {  	[tilespmem:s0], [sflag:$0x1] =	stream.indirect_vreg.gather [hbm4b:s4+s2], $0x80, v3, vm0, $0xb8;
	[tilespmem:$0x10080] =	vst v63  }
0x2f: {  	s10 =	rddreg [dreg:$0xa]  }
0x30: {  	[tilespmem:s10], [sflag:$0x1] =	stream.indirect_vreg.gather [hbm4b:s5+s2], $0x80, v3, vm0, $0xb8;
	[tilespmem:$0x10080] =	vst v63  }
0x31: {  	s0 =	rddreg [dreg:$0xb]  }
0x32: {  	[tilespmem:s0], [sflag:$0x1] =	stream.indirect_vreg.gather [hbm4b:s6+s2], $0x80, v3, vm0, $0xb8;
	[tilespmem:$0x10080] =	vst v63  }
0x33: {  	v3 =	vld [tilespmem:$0x10];
	_ =	sdelay $0x4  }
0x34: {  	v61 =	vshll.u32 v3, $0x3  }
0x35: {  	v3 =	vand.u32 $0x7, v3;
	v4 =	vand.u32 $0xFFFFFFC0, v61  }
0x36: {  	v3 =	vor.u32 v3, v4  }
0x37: {  	v4 =	vperm.xlane v3, v0;
	_ =	sdelay $0x1  }
0x38: {  	v4 =	vadd.s32 v1, v4;
	_ =	sdelay $0x3  }
0x39: {  	s0 =	rddreg [dreg:$0xc]  }
0x3a: {  	[tilespmem:s0], [sflag:$0x1] =	stream.indirect_vreg.gather [hbm4b:s3+s2], $0x80, v4, vm0, $0xb8;
	[tilespmem:$0x10080] =	vst v63  }
0x3b: {  	s10 =	rddreg [dreg:$0xd];
	v3 =	vperm.xlane v3, v2  }
0x3c: {  	[tilespmem:s10], [sflag:$0x1] =	stream.indirect_vreg.gather [hbm4b:s4+s2], $0x80, v4, vm0, $0xb8;
	[tilespmem:$0x10080] =	vst v63  }
0x3d: {  	v3 =	vadd.s32 v1, v3;
	s0 =	rddreg [dreg:$0xe]  }
0x3e: {  	[tilespmem:s0], [sflag:$0x1] =	stream.indirect_vreg.gather [hbm4b:s5+s2], $0x80, v4, vm0, $0xb8;
	[tilespmem:$0x10080] =	vst v63  }
0x3f: {  	s10 =	simm.s32 $0x5880  }
0x40: {  	[tilespmem:s10], [sflag:$0x1] =	stream.indirect_vreg.gather [hbm4b:s6+s2], $0x80, v4, vm0, $0xb8;
	[tilespmem:$0x10080] =	vst v63  }
0x41: {  	_ = 	snop  }
0x42: {  	[tilespmem:s11], [sflag:$0x1] =	stream.indirect_vreg.gather [hbm4b:s3+s2], $0x80, v3, vm0, $0xb8;
	[tilespmem:$0x10080] =	vst v63  }
0x43: {  	_ = 	snop  }
0x44: {  	[tilespmem:s12], [sflag:$0x1] =	stream.indirect_vreg.gather [hbm4b:s4+s2], $0x80, v3, vm0, $0xb8;
	[tilespmem:$0x10080] =	vst v63  }
0x45: {  	_ = 	snop  }
0x46: {  	[tilespmem:s13], [sflag:$0x1] =	stream.indirect_vreg.gather [hbm4b:s5+s2], $0x80, v3, vm0, $0xb8;
	[tilespmem:$0x10080] =	vst v63  }
0x47: {  	_ = 	snop  }
0x48: {  	[tilespmem:s14], [sflag:$0x1] =	stream.indirect_vreg.gather [hbm4b:s6+s2], $0x80, v3, vm0, $0xb8;
	[tilespmem:$0x10080] =	vst v63  }
0x49: {  	v3 =	vld [tilespmem:$0x20];
	_ =	sdelay $0x4  }
0x4a: {  	v62 =	vshll.u32 v3, $0x3  }
0x4b: {  	v3 =	vand.u32 $0x7, v3;
	v4 =	vand.u32 $0xFFFFFFC0, v62  }
0x4c: {  	v3 =	vor.u32 v3, v4  }
0x4d: {  	v4 =	vperm.xlane v3, v0;
	_ =	sdelay $0x1  }
0x4e: {  	v4 =	vadd.s32 v1, v4;
	_ =	sdelay $0x4  }
0x4f: {  	[tilespmem:s15], [sflag:$0x1] =	stream.indirect_vreg.gather [hbm4b:s3+s2], $0x80, v4, vm0, $0xb8;
	[tilespmem:$0x10080] =	vst v63  }
0x50: {  	v3 =	vperm.xlane v3, v2  }
0x51: {  	[tilespmem:s16], [sflag:$0x1] =	stream.indirect_vreg.gather [hbm4b:s4+s2], $0x80, v4, vm0, $0xb8;
	[tilespmem:$0x10080] =	vst v63  }
0x52: {  	v3 =	vadd.s32 v1, v3  }
0x53: {  	[tilespmem:s17], [sflag:$0x1] =	stream.indirect_vreg.gather [hbm4b:s5+s2], $0x80, v4, vm0, $0xb8;
	[tilespmem:$0x10080] =	vst v63  }
0x54: {  	_ = 	snop  }
0x55: {  	[tilespmem:s18], [sflag:$0x1] =	stream.indirect_vreg.gather [hbm4b:s6+s2], $0x80, v4, vm0, $0xb8;
	[tilespmem:$0x10080] =	vst v63  }
0x56: {  	_ = 	snop  }
0x57: {  	[tilespmem:s19], [sflag:$0x1] =	stream.indirect_vreg.gather [hbm4b:s3+s2], $0x80, v3, vm0, $0xb8;
	[tilespmem:$0x10080] =	vst v63  }
0x58: {  	_ = 	snop  }
0x59: {  	[tilespmem:s20], [sflag:$0x1] =	stream.indirect_vreg.gather [hbm4b:s4+s2], $0x80, v3, vm0, $0xb8;
	[tilespmem:$0x10080] =	vst v63  }
0x5a: {  	_ = 	snop  }
0x5b: {  	[tilespmem:s21], [sflag:$0x1] =	stream.indirect_vreg.gather [hbm4b:s5+s2], $0x80, v3, vm0, $0xb8;
	[tilespmem:$0x10080] =	vst v63  }
0x5c: {  	_ = 	snop  }
0x5d: {  	[tilespmem:s22], [sflag:$0x1] =	stream.indirect_vreg.gather [hbm4b:s6+s2], $0x80, v3, vm0, $0xb8;
	[tilespmem:$0x10080] =	vst v63  }
0x5e: {  	v3 =	vld [tilespmem:$0x30];
	_ =	sdelay $0x4  }
0x5f: {  	v63 =	vshll.u32 v3, $0x3  }
0x60: {  	v3 =	vand.u32 $0x7, v3;
	v4 =	vand.u32 $0xFFFFFFC0, v63  }
0x61: {  	v3 =	vor.u32 v3, v4  }
0x62: {  	v4 =	vperm.xlane v3, v0;
	_ =	sdelay $0x1  }
0x63: {  	v4 =	vadd.s32 v1, v4;
	_ =	sdelay $0x4  }
0x64: {  	[tilespmem:s23], [sflag:$0x1] =	stream.indirect_vreg.gather [hbm4b:s3+s2], $0x80, v4, vm0, $0xb8;
	[tilespmem:$0x10080] =	vst v63  }
0x65: {  	v3 =	vperm.xlane v3, v2  }
0x66: {  	[tilespmem:s24], [sflag:$0x1] =	stream.indirect_vreg.gather [hbm4b:s4+s2], $0x80, v4, vm0, $0xb8;
	[tilespmem:$0x10080] =	vst v63  }
0x67: {  	v3 =	vadd.s32 v1, v3  }
0x68: {  	[tilespmem:s25], [sflag:$0x1] =	stream.indirect_vreg.gather [hbm4b:s5+s2], $0x80, v4, vm0, $0xb8;
	[tilespmem:$0x10080] =	vst v63  }
0x69: {  	_ = 	snop  }
0x6a: {  	[tilespmem:s26], [sflag:$0x1] =	stream.indirect_vreg.gather [hbm4b:s6+s2], $0x80, v4, vm0, $0xb8;
	[tilespmem:$0x10080] =	vst v63  }
0x6b: {  	_ = 	snop  }
0x6c: {  	[tilespmem:s28], [sflag:$0x1] =	stream.indirect_vreg.gather [hbm4b:s3+s2], $0x80, v3, vm0, $0xb8;
	[tilespmem:$0x10080] =	vst v63  }
0x6d: {  	_ = 	snop  }
0x6e: {  	[tilespmem:s29], [sflag:$0x1] =	stream.indirect_vreg.gather [hbm4b:s4+s2], $0x80, v3, vm0, $0xb8;
	[tilespmem:$0x10080] =	vst v63  }
0x6f: {  	_ = 	snop  }
0x70: {  	[tilespmem:s30], [sflag:$0x1] =	stream.indirect_vreg.gather [hbm4b:s5+s2], $0x80, v3, vm0, $0xb8;
	[tilespmem:$0x10080] =	vst v63  }
0x71: {  	_ = 	snop  }
0x72: {  	[tilespmem:s31], [sflag:$0x1] =	stream.indirect_vreg.gather [hbm4b:s6+s2], $0x80, v3, vm0, $0xb8;
	[tilespmem:$0x10080] =	vst v63  }
0x73: {  	_ =	swait.ge [sflag:s1], $0x10000  }
0x74: {  	p0 =	sne.s32 s7, $0x1;
	[sflag:s1] =	ssyncset.done $0x0  }
.Ltmp0:
0x75: {  	s10 =	rddreg [dreg:$0x4];
	[sflag:s1] =	ssyncadd.s32 $0xFFFF0000;
	(pc) =	sbr.rel @p0 .LBB2_1-.Ltmp0, $4  }
0x76: {  	[hbm4b:s10+s2] =	stream.linear.scatter [tilespmem:s9], [sflag:$0x2], $0x10000, $0x38;
	[tilespmem:$0x10080] =	vst v63  }
0x77: {  	_ =	swait.ge [sflag:s8], $0x10000  }
0x78: {  	[sflag:s8] =	ssyncset.done $0x0  }
0x79: {  	s7 =	sadd.s32 $0xFFFFFFFF, s7;
	[sflag:s8] =	ssyncadd.s32 $0xFFFF0000  }
0x7a: {  	_ =	sfence.sel $0x180000  }
0x7b: {  	[bflag:$0x0] =	sbarrier.arrive $0xFFFF  }
0x7c: {  	_ =	strace $0x9000004A  }
0x7d: {  	s0 =	stileid.u32;
	[bflag:$0x2] =	sbarrier.arrive $0xFFFF  }
0x7e: {  	p0 =	sne.s32 s0, $0x0;
	s0 =	rddreg [dreg:$0x2]  }
0x7f: {  	s0 =	sadd.s32 @!p0 $0x100000, s0  }
0x80: {  	[sflag:s0] =	ssyncadd.tile.s32 @!p0 $0x1;
	_ =	shalt  }
.Lfunc_end2:
_tile_overlayer_lowered:
.L_overlay_start_2:
0x81: {  	(tag) =	ssettag $0x2  }
0x82: {  	s0 =	rddreg [dreg:$0x0];
	s2 =	stileid.u32  }
0x83: {  	s1 =	rddreg [dreg:$0x1];
	p0 =	sne.s32 s2, $0x0  }
0x84: {  	s3 =	rddreg [dreg:$0x2];
	[bflag:$0x3] =	sbarrier.arrive $0xFFFF;
	s2 =	simm.s32 @!p0 $0x1C02  }
0x85: {  	[timem:s3], [sflag:s2] =	dma.local @!p0 [hbm:s0], s1  }
0x86: {  	s0 =	simm.s32 @!p0 $0x2  }
0x87: {  	_ =	swait.ge @!p0 [sflag:s0], s1  }
0x88: {  	s1 =	ssub.s32 @!p0 $0x0, s1;
	[sflag:s0] =	ssyncset.done @!p0 $0x0  }
0x89: {  	[sflag:s0] =	ssyncadd.s32 @!p0 s1  }
0x8a: {  	[bflag:$0x3] =	sbarrier.arrive $0xFFFF  }
0x8b: {  	_ =	shalt  }

</sc_bundles>
